<compile_context>
chip_gen: v7x
topology: tpu7x:2x2x1
jax: 0.10.2.dev20260603
libtpu: 0.0.44.dev20260713+nightly
codegen_flags: <defaults>
</compile_context>

<pallas_src>
import functools

import jax
import jax.numpy as jnp
from jax import lax
from jax.experimental import pallas as pl
from jax.experimental.pallas import tpu as pltpu
from jax.experimental.pallas import tpu_sc as plsc

_NW = 32
_KB = 4


def _build_lookup(B, L, V, D):
    NB = B // 128
    S = (L * NB) // (_NW * _KB)
    su_per_l = NB // _KB
    P = _KB * 128
    assert S % 2 == 0

    mesh = plsc.VectorSubcoreMesh(core_axis_name="c", subcore_axis_name="s")

    @functools.partial(
        pl.kernel,
        mesh=mesh,
        out_type=jax.ShapeDtypeStruct((L, B, D), jnp.float32),
        compiler_params=pltpu.CompilerParams(
            use_tc_tiling_on_sc=False, needs_layout_passes=False),
        scratch_types=[
            pltpu.VMEM((2, _KB, 2, 128), jnp.int32),
            pltpu.VMEM((2, P, D), jnp.float32),
        ]
        + [pltpu.SemaphoreType.DMA] * (2 * _KB)
        + [pltpu.SemaphoreType.DMA] * 2
        + [pltpu.SemaphoreType.DMA] * 2,
    )
    def body(xl_hbm, e_hbm, ol_hbm, idxv, buf, *sems):
        sg = [sems[:_KB], sems[_KB:2 * _KB]]
        si = sems[2 * _KB:2 * _KB + 2]
        so = sems[2 * _KB + 2:]
        wid = lax.axis_index("s") * 2 + lax.axis_index("c")

        def unit_pos(su):
            return su // su_per_l, (su % su_per_l) * _KB

        def fire_g0(b, k):
            return pltpu.async_copy(
                e_hbm.at[idxv.at[b, k, 0]],
                buf.at[b, pl.ds(k * 128, 128)], sg[b][k])

        def fire_idx(b, su):
            l, bt0 = unit_pos(su)
            return pltpu.async_copy(
                xl_hbm.at[l, pl.ds(bt0, _KB)], idxv.at[b], si[b])

        def process(s, b):
            su = wid * S + s
            l, bt0 = unit_pos(su)
            @pl.when(s < S - 1)
            def _():
                pltpu.make_async_copy(
                    xl_hbm.at[0, pl.ds(0, _KB)], idxv.at[1 - b],
                    si[1 - b]).wait()
                for k in range(_KB):
                    fire_g0(1 - b, k)
            for k in range(_KB):
                pltpu.make_async_copy(
                    e_hbm.at[idxv.at[b, k, 0]],
                    buf.at[b, pl.ds(k * 128, 128)], sg[b][k]).wait()
                pltpu.async_copy(
                    e_hbm.at[idxv.at[b, k, 1]],
                    buf.at[b, pl.ds(k * 128, 128)], sg[b][k], add=True)
            @pl.when(s >= 2)
            def _():
                pltpu.make_async_copy(
                    buf.at[b], ol_hbm.at[0, pl.ds(0, P)], so[b]).wait()
            for k in range(_KB):
                pltpu.make_async_copy(
                    e_hbm.at[idxv.at[b, k, 1]],
                    buf.at[b, pl.ds(k * 128, 128)], sg[b][k]).wait()
            @pl.when(s < S - 2)
            def _():
                fire_idx(b, su + 2)
            pltpu.async_copy(
                buf.at[b], ol_hbm.at[l, pl.ds(bt0 * 128, P)], so[b])

        su0 = wid * S
        l0, b00 = unit_pos(su0)
        pltpu.sync_copy(xl_hbm.at[l0, pl.ds(b00, _KB)], idxv.at[0])
        for k in range(_KB):
            fire_g0(0, k)
        fire_idx(1, su0 + 1)

        def do_pair(i, carry):
            process(2 * i, 0)
            process(2 * i + 1, 1)
            return carry

        lax.fori_loop(0, S // 2, do_pair, 0)
        for b in range(2):
            pltpu.make_async_copy(
                buf.at[b], ol_hbm.at[0, pl.ds(0, P)], so[b]).wait()

    return body


def kernel(x, E):
    B, L, H = x.shape
    V, D = E.shape
    assert H == 2 and D % 16 == 0 and B % 128 == 0
    NB = B // 128
    xl = (x.astype(jnp.int32)
          .transpose(1, 2, 0)
          .reshape(L, H, NB, 128)
          .transpose(0, 2, 1, 3))
    ol = _build_lookup(B, L, V, D)(xl, E)
    return ol.transpose(1, 0, 2)

# --- scband reference (transcript-rebuilt; emitter-appended) ---
"""Pipeline reference for scband-hash-embedding-19284403159727 (READ-ONLY COPY).

The authoritative reference and input builder live on the scoring server;
editing this copy changes nothing except your own understanding.
"""

import jax, jax.numpy as jnp
import numpy as np

N_TOK = 1000000
EMB_DIM = 32
N_HASH = 2
BATCH = 4096
HIST = 200


def setup_inputs(seed: int = 0) -> dict:
    key = jax.random.key(seed)
    k_idx, k_w = jax.random.split(key)
    x = jax.random.randint(k_idx, (BATCH, HIST, N_HASH), 0, N_TOK + 1, dtype=jnp.int64 if jax.config.jax_enable_x64 else jnp.int32)
    # Embedding table: (n_tok + 1, emb_dim), xavier_uniform init, padding_idx=0 row zeroed
    fan_in, fan_out = N_TOK + 1, EMB_DIM
    bound = float(np.sqrt(6.0 / (fan_in + fan_out)))
    E = jax.random.uniform(k_w, (N_TOK + 1, EMB_DIM), dtype=jnp.float32, minval=-bound, maxval=bound)
    E = E.at[0].set(0.0)
    return {"x": x, "E": E}


def reference(x, E):
    # embeds = self.E(x): gather rows -> [B, L, n_hash, emb_dim]
    embeds = jnp.take(E, x, axis=0)
    # y = embeds.sum(dim=2) -> [B, L, emb_dim]
    y = embeds.sum(axis=2)
    return y

if __name__ == "__main__":
    import jax
    _d = setup_inputs()
    print(jax.jit(kernel)(*tuple(_d.values())))

</pallas_src>

<mosaic_0001>
#map = affine_map<(d0, d1) -> (0, 0, 0, 0)>
#map1 = affine_map<(d0, d1) -> (0, 0)>
#map2 = affine_map<(d0, d1) -> (0, 0, 0)>
module attributes {stable_mosaic.version = 14 : i64} {
  func.func @body(%arg0: i32, %arg1: i32, %arg2: memref<200x32x2x128xi32, #tpu.memory_space<hbm>>, %arg3: memref<1000001x32xf32, #tpu.memory_space<hbm>>, %arg4: memref<200x4096x32xf32, #tpu.memory_space<hbm>>, %arg5: memref<2x4x2x128xi32, #tpu.memory_space<vmem>>, %arg6: memref<2x512x32xf32, #tpu.memory_space<vmem>>, %arg7: memref<!tpu.dma_semaphore, #tpu.memory_space<semaphore_mem>>, %arg8: memref<!tpu.dma_semaphore, #tpu.memory_space<semaphore_mem>>, %arg9: memref<!tpu.dma_semaphore, #tpu.memory_space<semaphore_mem>>, %arg10: memref<!tpu.dma_semaphore, #tpu.memory_space<semaphore_mem>>, %arg11: memref<!tpu.dma_semaphore, #tpu.memory_space<semaphore_mem>>, %arg12: memref<!tpu.dma_semaphore, #tpu.memory_space<semaphore_mem>>, %arg13: memref<!tpu.dma_semaphore, #tpu.memory_space<semaphore_mem>>, %arg14: memref<!tpu.dma_semaphore, #tpu.memory_space<semaphore_mem>>, %arg15: memref<!tpu.dma_semaphore, #tpu.memory_space<semaphore_mem>>, %arg16: memref<!tpu.dma_semaphore, #tpu.memory_space<semaphore_mem>>, %arg17: memref<!tpu.dma_semaphore, #tpu.memory_space<semaphore_mem>>, %arg18: memref<!tpu.dma_semaphore, #tpu.memory_space<semaphore_mem>>) attributes {dimension_semantics = [#tpu.dimension_semantics<core_parallel>, #tpu.dimension_semantics<subcore_parallel>], iteration_bounds = array<i64: 2, 16>, scalar_prefetch = 0 : i64, scratch_operands = 14 : i64, tpu.core_type = #tpu.core_type<sc_vector_subcore>, window_params = [{transform_indices = #map}, {transform_indices = #map1}, {transform_indices = #map2}]} {
    %mul3A = arith.constant 2 : i32
    %mul3A_0 = arith.muli %arg1, %mul3A : i32
    %add3A = arith.addi %mul3A_0, %arg0 : i32
    %mul3A_1 = arith.constant 50 : i32
    %mul3A_2 = arith.muli %add3A, %mul3A_1 : i32
    %jit3A = arith.constant 8 : i32
    %div3A = arith.divsi %mul3A_2, %jit3A : i32
    %sign3A = arith.constant 0 : i32
    %sign3A_3 = arith.cmpi sgt, %mul3A_2, %sign3A : i32
    %sign3A_4 = arith.extui %sign3A_3 : i1 to i32
    %sign3A_5 = arith.constant 0 : i32
    %sign3A_6 = arith.cmpi slt, %mul3A_2, %sign3A_5 : i32
    %sign3A_7 = arith.extui %sign3A_6 : i1 to i32
    %sign3A_8 = arith.subi %sign3A_4, %sign3A_7 : i32
    %sign3A_9 = arith.constant 0 : i32
    %sign3A_10 = arith.cmpi sgt, %jit3A, %sign3A_9 : i32
    %sign3A_11 = arith.extui %sign3A_10 : i1 to i32
    %sign3A_12 = arith.constant 0 : i32
    %sign3A_13 = arith.cmpi slt, %jit3A, %sign3A_12 : i32
    %sign3A_14 = arith.extui %sign3A_13 : i1 to i32
    %sign3A_15 = arith.subi %sign3A_11, %sign3A_14 : i32
    %ne3A = arith.cmpi ne, %sign3A_8, %sign3A_15 : i32
    %rem3A = arith.remsi %mul3A_2, %jit3A : i32
    %ne3A_16 = arith.constant 0 : i32
    %ne3A_17 = arith.cmpi ne, %rem3A, %ne3A_16 : i32
    %and3A = arith.andi %ne3A, %ne3A_17 : i1
    %sub3A = arith.constant 1 : i32
    %sub3A_18 = arith.subi %div3A, %sub3A : i32
    %select_n3A = arith.select %and3A, %sub3A_18, %div3A : i32
    %jit3A_19 = arith.constant 8 : i32
    %eq3A = arith.constant 0 : i32
    %eq3A_20 = arith.cmpi eq, %jit3A_19, %eq3A : i32
    %jit3A_21 = arith.constant 1 : i32
    %select_n3A_22 = arith.select %eq3A_20, %jit3A_21, %jit3A_19 : i32
    %rem3A_23 = arith.remsi %mul3A_2, %select_n3A_22 : i32
    %ne3A_24 = arith.constant 0 : i32
    %ne3A_25 = arith.cmpi ne, %rem3A_23, %ne3A_24 : i32
    %lt3A = arith.constant 0 : i32
    %lt3A_26 = arith.cmpi slt, %rem3A_23, %lt3A : i32
    %lt3A_27 = arith.constant 0 : i32
    %lt3A_28 = arith.cmpi slt, %select_n3A_22, %lt3A_27 : i32
    %ne3A_29 = arith.xori %lt3A_26, %lt3A_28 : i1
    %and3A_30 = arith.andi %ne3A_29, %ne3A_25 : i1
    %add3A_31 = arith.addi %rem3A_23, %select_n3A_22 : i32
    %select_n3A_32 = arith.select %and3A_30, %add3A_31, %rem3A_23 : i32
    %mul3A_33 = arith.constant 4 : i32
    %mul3A_34 = arith.muli %select_n3A_32, %mul3A_33 : i32
    %run_scoped3A = arith.constant 0 : i32
    "tpu.region"() ({
      %run_scoped3A_193 = tpu.sem_alloc : memref<!tpu.dma_semaphore, #tpu.memory_space<semaphore_mem>>
      %dma_start3A_194 = arith.constant 0 : i32
      %dma_start3A_195 = arith.constant 0 : i32
      %dma_start3A_196 = arith.constant 0 : i32
      %dma_start3A_197 = tpu.memref_slice %arg5[%run_scoped3A, %dma_start3A_194, %dma_start3A_195, %dma_start3A_196] : memref<2x4x2x128xi32, #tpu.memory_space<vmem>> -> memref<1x4x2x128xi32, #tpu.memory_space<vmem>>
      %dma_start3A_198 = tpu.memref_squeeze %dma_start3A_197 : memref<1x4x2x128xi32, #tpu.memory_space<vmem>> -> memref<4x2x128xi32, #tpu.memory_space<vmem>>
      %dma_start3A_199 = arith.constant 0 : i32
      %dma_start3A_200 = arith.constant 0 : i32
      %dma_start3A_201 = tpu.memref_slice %arg2[%select_n3A, %mul3A_34, %dma_start3A_199, %dma_start3A_200] : memref<200x32x2x128xi32, #tpu.memory_space<hbm>> -> memref<1x4x2x128xi32, #tpu.memory_space<hbm>>
      %dma_start3A_202 = tpu.memref_squeeze %dma_start3A_201 : memref<1x4x2x128xi32, #tpu.memory_space<hbm>> -> memref<4x2x128xi32, #tpu.memory_space<hbm>>
      %dma_start3A_203 = arith.constant 0 : i32
      %dma_start3A_204 = arith.constant 0 : i32
      %dma_start3A_205 = arith.constant 0 : i32
      %dma_start3A_206 = tpu.memref_slice %arg5[%run_scoped3A, %dma_start3A_203, %dma_start3A_204, %dma_start3A_205] : memref<2x4x2x128xi32, #tpu.memory_space<vmem>> -> memref<1x4x2x128xi32, #tpu.memory_space<vmem>>
      %dma_start3A_207 = tpu.memref_squeeze %dma_start3A_206 : memref<1x4x2x128xi32, #tpu.memory_space<vmem>> -> memref<4x2x128xi32, #tpu.memory_space<vmem>>
      %dma_start3A_208 = arith.constant 0 : i32
      %dma_start3A_209 = arith.constant 0 : i32
      %dma_start3A_210 = tpu.memref_slice %arg2[%select_n3A, %mul3A_34, %dma_start3A_208, %dma_start3A_209] : memref<200x32x2x128xi32, #tpu.memory_space<hbm>> -> memref<1x4x2x128xi32, #tpu.memory_space<hbm>>
      %dma_start3A_211 = tpu.memref_squeeze %dma_start3A_210 : memref<1x4x2x128xi32, #tpu.memory_space<hbm>> -> memref<4x2x128xi32, #tpu.memory_space<hbm>>
      tpu.enqueue_dma source(%dma_start3A_211 : memref<4x2x128xi32, #tpu.memory_space<hbm>>) target(%dma_start3A_207 : memref<4x2x128xi32, #tpu.memory_space<vmem>>) target_semaphore(%run_scoped3A_193 : memref<!tpu.dma_semaphore, #tpu.memory_space<semaphore_mem>>)
      %dma_wait3A_212 = arith.constant 0 : i32
      %dma_wait3A_213 = arith.constant 0 : i32
      %dma_wait3A_214 = arith.constant 0 : i32
      %dma_wait3A_215 = tpu.memref_slice %arg5[%run_scoped3A, %dma_wait3A_212, %dma_wait3A_213, %dma_wait3A_214] : memref<2x4x2x128xi32, #tpu.memory_space<vmem>> -> memref<1x4x2x128xi32, #tpu.memory_space<vmem>>
      %dma_wait3A_216 = tpu.memref_squeeze %dma_wait3A_215 : memref<1x4x2x128xi32, #tpu.memory_space<vmem>> -> memref<4x2x128xi32, #tpu.memory_space<vmem>>
      %dma_wait3A_217 = arith.constant 0 : i32
      %dma_wait3A_218 = arith.constant 0 : i32
      %dma_wait3A_219 = tpu.memref_slice %arg2[%select_n3A, %mul3A_34, %dma_wait3A_217, %dma_wait3A_218] : memref<200x32x2x128xi32, #tpu.memory_space<hbm>> -> memref<1x4x2x128xi32, #tpu.memory_space<hbm>>
      %dma_wait3A_220 = tpu.memref_squeeze %dma_wait3A_219 : memref<1x4x2x128xi32, #tpu.memory_space<hbm>> -> memref<4x2x128xi32, #tpu.memory_space<hbm>>
      %dma_wait3A_221 = arith.constant 0 : i32
      %dma_wait3A_222 = arith.constant 0 : i32
      %dma_wait3A_223 = arith.constant 0 : i32
      %dma_wait3A_224 = tpu.memref_slice %arg5[%run_scoped3A, %dma_wait3A_221, %dma_wait3A_222, %dma_wait3A_223] : memref<2x4x2x128xi32, #tpu.memory_space<vmem>> -> memref<1x4x2x128xi32, #tpu.memory_space<vmem>>
      %dma_wait3A_225 = tpu.memref_squeeze %dma_wait3A_224 : memref<1x4x2x128xi32, #tpu.memory_space<vmem>> -> memref<4x2x128xi32, #tpu.memory_space<vmem>>
      %dma_wait3A_226 = arith.constant 0 : i32
      %dma_wait3A_227 = arith.constant 0 : i32
      %dma_wait3A_228 = tpu.memref_slice %arg2[%select_n3A, %mul3A_34, %dma_wait3A_226, %dma_wait3A_227] : memref<200x32x2x128xi32, #tpu.memory_space<hbm>> -> memref<1x4x2x128xi32, #tpu.memory_space<hbm>>
      %dma_wait3A_229 = tpu.memref_squeeze %dma_wait3A_228 : memref<1x4x2x128xi32, #tpu.memory_space<hbm>> -> memref<4x2x128xi32, #tpu.memory_space<hbm>>
      tpu.wait_dma2 semaphore(%run_scoped3A_193 : memref<!tpu.dma_semaphore, #tpu.memory_space<semaphore_mem>>) src(%dma_wait3A_229 : memref<4x2x128xi32, #tpu.memory_space<hbm>>) dst(%dma_wait3A_225 : memref<4x2x128xi32, #tpu.memory_space<vmem>>)
      tpu.yield
    }) : () -> ()
    %dma_start3A = arith.constant 0 : i32
    %dma_start3A_35 = arith.constant 0 : i32
    %dma_start3A_36 = arith.constant 0 : i32
    %dma_start3A_37 = arith.constant 0 : i32
    %dma_start3A_38 = arith.constant 0 : i32
    %dma_start3A_39 = arith.constant 0 : i32
    %dma_start3A_40 = tpu.memref_slice %arg6[%dma_start3A_37, %dma_start3A_38, %dma_start3A_39] : memref<2x512x32xf32, #tpu.memory_space<vmem>> -> memref<1x128x32xf32, #tpu.memory_space<vmem>>
    %dma_start3A_41 = tpu.memref_squeeze %dma_start3A_40 : memref<1x128x32xf32, #tpu.memory_space<vmem>> -> memref<128x32xf32, #tpu.memory_space<vmem>>
    %dma_start3A_42 = arith.constant 0 : i32
    %dma_start3A_43 = tpu.memref_slice %arg5[%dma_start3A, %dma_start3A_35, %dma_start3A_36, %dma_start3A_42] : memref<2x4x2x128xi32, #tpu.memory_space<vmem>> -> memref<1x1x1x128xi32, #tpu.memory_space<vmem>>
    %dma_start3A_44 = tpu.memref_squeeze %dma_start3A_43 : memref<1x1x1x128xi32, #tpu.memory_space<vmem>> -> memref<128xi32, #tpu.memory_space<vmem>>
    %dma_start3A_45 = arith.constant 0 : i32
    %dma_start3A_46 = arith.constant 0 : i32
    %dma_start3A_47 = tpu.memref_slice %arg3[%dma_start3A_45, %dma_start3A_46] : memref<1000001x32xf32, #tpu.memory_space<hbm>> -> memref<1000001x32xf32, #tpu.memory_space<hbm>>
    tpu.enqueue_indirect_dma source(%dma_start3A_47 : memref<1000001x32xf32, #tpu.memory_space<hbm>>) target(%dma_start3A_41 : memref<128x32xf32, #tpu.memory_space<vmem>>) offsets(%dma_start3A_44 : memref<128xi32, #tpu.memory_space<vmem>>) semaphore(%arg7 : memref<!tpu.dma_semaphore, #tpu.memory_space<semaphore_mem>>)
    %dma_start3A_48 = arith.constant 0 : i32
    %dma_start3A_49 = arith.constant 1 : i32
    %dma_start3A_50 = arith.constant 0 : i32
    %dma_start3A_51 = arith.constant 0 : i32
    %dma_start3A_52 = arith.constant 128 : i32
    %dma_start3A_53 = arith.constant 0 : i32
    %dma_start3A_54 = tpu.memref_slice %arg6[%dma_start3A_51, %dma_start3A_52, %dma_start3A_53] : memref<2x512x32xf32, #tpu.memory_space<vmem>> -> memref<1x128x32xf32, #tpu.memory_space<vmem>>
    %dma_start3A_55 = tpu.memref_squeeze %dma_start3A_54 : memref<1x128x32xf32, #tpu.memory_space<vmem>> -> memref<128x32xf32, #tpu.memory_space<vmem>>
    %dma_start3A_56 = arith.constant 0 : i32
    %dma_start3A_57 = tpu.memref_slice %arg5[%dma_start3A_48, %dma_start3A_49, %dma_start3A_50, %dma_start3A_56] : memref<2x4x2x128xi32, #tpu.memory_space<vmem>> -> memref<1x1x1x128xi32, #tpu.memory_space<vmem>>
    %dma_start3A_58 = tpu.memref_squeeze %dma_start3A_57 : memref<1x1x1x128xi32, #tpu.memory_space<vmem>> -> memref<128xi32, #tpu.memory_space<vmem>>
    %dma_start3A_59 = arith.constant 0 : i32
    %dma_start3A_60 = arith.constant 0 : i32
    %dma_start3A_61 = tpu.memref_slice %arg3[%dma_start3A_59, %dma_start3A_60] : memref<1000001x32xf32, #tpu.memory_space<hbm>> -> memref<1000001x32xf32, #tpu.memory_space<hbm>>
    tpu.enqueue_indirect_dma source(%dma_start3A_61 : memref<1000001x32xf32, #tpu.memory_space<hbm>>) target(%dma_start3A_55 : memref<128x32xf32, #tpu.memory_space<vmem>>) offsets(%dma_start3A_58 : memref<128xi32, #tpu.memory_space<vmem>>) semaphore(%arg8 : memref<!tpu.dma_semaphore, #tpu.memory_space<semaphore_mem>>)
    %dma_start3A_62 = arith.constant 0 : i32
    %dma_start3A_63 = arith.constant 2 : i32
    %dma_start3A_64 = arith.constant 0 : i32
    %dma_start3A_65 = arith.constant 0 : i32
    %dma_start3A_66 = arith.constant 256 : i32
    %dma_start3A_67 = arith.constant 0 : i32
    %dma_start3A_68 = tpu.memref_slice %arg6[%dma_start3A_65, %dma_start3A_66, %dma_start3A_67] : memref<2x512x32xf32, #tpu.memory_space<vmem>> -> memref<1x128x32xf32, #tpu.memory_space<vmem>>
    %dma_start3A_69 = tpu.memref_squeeze %dma_start3A_68 : memref<1x128x32xf32, #tpu.memory_space<vmem>> -> memref<128x32xf32, #tpu.memory_space<vmem>>
    %dma_start3A_70 = arith.constant 0 : i32
    %dma_start3A_71 = tpu.memref_slice %arg5[%dma_start3A_62, %dma_start3A_63, %dma_start3A_64, %dma_start3A_70] : memref<2x4x2x128xi32, #tpu.memory_space<vmem>> -> memref<1x1x1x128xi32, #tpu.memory_space<vmem>>
    %dma_start3A_72 = tpu.memref_squeeze %dma_start3A_71 : memref<1x1x1x128xi32, #tpu.memory_space<vmem>> -> memref<128xi32, #tpu.memory_space<vmem>>
    %dma_start3A_73 = arith.constant 0 : i32
    %dma_start3A_74 = arith.constant 0 : i32
    %dma_start3A_75 = tpu.memref_slice %arg3[%dma_start3A_73, %dma_start3A_74] : memref<1000001x32xf32, #tpu.memory_space<hbm>> -> memref<1000001x32xf32, #tpu.memory_space<hbm>>
    tpu.enqueue_indirect_dma source(%dma_start3A_75 : memref<1000001x32xf32, #tpu.memory_space<hbm>>) target(%dma_start3A_69 : memref<128x32xf32, #tpu.memory_space<vmem>>) offsets(%dma_start3A_72 : memref<128xi32, #tpu.memory_space<vmem>>) semaphore(%arg9 : memref<!tpu.dma_semaphore, #tpu.memory_space<semaphore_mem>>)
    %dma_start3A_76 = arith.constant 0 : i32
    %dma_start3A_77 = arith.constant 3 : i32
    %dma_start3A_78 = arith.constant 0 : i32
    %dma_start3A_79 = arith.constant 0 : i32
    %dma_start3A_80 = arith.constant 384 : i32
    %dma_start3A_81 = arith.constant 0 : i32
    %dma_start3A_82 = tpu.memref_slice %arg6[%dma_start3A_79, %dma_start3A_80, %dma_start3A_81] : memref<2x512x32xf32, #tpu.memory_space<vmem>> -> memref<1x128x32xf32, #tpu.memory_space<vmem>>
    %dma_start3A_83 = tpu.memref_squeeze %dma_start3A_82 : memref<1x128x32xf32, #tpu.memory_space<vmem>> -> memref<128x32xf32, #tpu.memory_space<vmem>>
    %dma_start3A_84 = arith.constant 0 : i32
    %dma_start3A_85 = tpu.memref_slice %arg5[%dma_start3A_76, %dma_start3A_77, %dma_start3A_78, %dma_start3A_84] : memref<2x4x2x128xi32, #tpu.memory_space<vmem>> -> memref<1x1x1x128xi32, #tpu.memory_space<vmem>>
    %dma_start3A_86 = tpu.memref_squeeze %dma_start3A_85 : memref<1x1x1x128xi32, #tpu.memory_space<vmem>> -> memref<128xi32, #tpu.memory_space<vmem>>
    %dma_start3A_87 = arith.constant 0 : i32
    %dma_start3A_88 = arith.constant 0 : i32
    %dma_start3A_89 = tpu.memref_slice %arg3[%dma_start3A_87, %dma_start3A_88] : memref<1000001x32xf32, #tpu.memory_space<hbm>> -> memref<1000001x32xf32, #tpu.memory_space<hbm>>
    tpu.enqueue_indirect_dma source(%dma_start3A_89 : memref<1000001x32xf32, #tpu.memory_space<hbm>>) target(%dma_start3A_83 : memref<128x32xf32, #tpu.memory_space<vmem>>) offsets(%dma_start3A_86 : memref<128xi32, #tpu.memory_space<vmem>>) semaphore(%arg10 : memref<!tpu.dma_semaphore, #tpu.memory_space<semaphore_mem>>)
    %add3A_90 = arith.constant 1 : i32
    %add3A_91 = arith.addi %mul3A_2, %add3A_90 : i32
    %jit3A_92 = arith.constant 8 : i32
    %div3A_93 = arith.divsi %add3A_91, %jit3A_92 : i32
    %sign3A_94 = arith.constant 0 : i32
    %sign3A_95 = arith.cmpi sgt, %add3A_91, %sign3A_94 : i32
    %sign3A_96 = arith.extui %sign3A_95 : i1 to i32
    %sign3A_97 = arith.constant 0 : i32
    %sign3A_98 = arith.cmpi slt, %add3A_91, %sign3A_97 : i32
    %sign3A_99 = arith.extui %sign3A_98 : i1 to i32
    %sign3A_100 = arith.subi %sign3A_96, %sign3A_99 : i32
    %sign3A_101 = arith.constant 0 : i32
    %sign3A_102 = arith.cmpi sgt, %jit3A_92, %sign3A_101 : i32
    %sign3A_103 = arith.extui %sign3A_102 : i1 to i32
    %sign3A_104 = arith.constant 0 : i32
    %sign3A_105 = arith.cmpi slt, %jit3A_92, %sign3A_104 : i32
    %sign3A_106 = arith.extui %sign3A_105 : i1 to i32
    %sign3A_107 = arith.subi %sign3A_103, %sign3A_106 : i32
    %ne3A_108 = arith.cmpi ne, %sign3A_100, %sign3A_107 : i32
    %rem3A_109 = arith.remsi %add3A_91, %jit3A_92 : i32
    %ne3A_110 = arith.constant 0 : i32
    %ne3A_111 = arith.cmpi ne, %rem3A_109, %ne3A_110 : i32
    %and3A_112 = arith.andi %ne3A_108, %ne3A_111 : i1
    %sub3A_113 = arith.constant 1 : i32
    %sub3A_114 = arith.subi %div3A_93, %sub3A_113 : i32
    %select_n3A_115 = arith.select %and3A_112, %sub3A_114, %div3A_93 : i32
    %jit3A_116 = arith.constant 8 : i32
    %eq3A_117 = arith.constant 0 : i32
    %eq3A_118 = arith.cmpi eq, %jit3A_116, %eq3A_117 : i32
    %jit3A_119 = arith.constant 1 : i32
    %select_n3A_120 = arith.select %eq3A_118, %jit3A_119, %jit3A_116 : i32
    %rem3A_121 = arith.remsi %add3A_91, %select_n3A_120 : i32
    %ne3A_122 = arith.constant 0 : i32
    %ne3A_123 = arith.cmpi ne, %rem3A_121, %ne3A_122 : i32
    %lt3A_124 = arith.constant 0 : i32
    %lt3A_125 = arith.cmpi slt, %rem3A_121, %lt3A_124 : i32
    %lt3A_126 = arith.constant 0 : i32
    %lt3A_127 = arith.cmpi slt, %select_n3A_120, %lt3A_126 : i32
    %ne3A_128 = arith.xori %lt3A_125, %lt3A_127 : i1
    %and3A_129 = arith.andi %ne3A_128, %ne3A_123 : i1
    %add3A_130 = arith.addi %rem3A_121, %select_n3A_120 : i32
    %select_n3A_131 = arith.select %and3A_129, %add3A_130, %rem3A_121 : i32
    %mul3A_132 = arith.constant 4 : i32
    %mul3A_133 = arith.muli %select_n3A_131, %mul3A_132 : i32
    %dma_start3A_134 = arith.constant 1 : i32
    %dma_start3A_135 = arith.constant 0 : i32
    %dma_start3A_136 = arith.constant 0 : i32
    %dma_start3A_137 = arith.constant 0 : i32
    %dma_start3A_138 = tpu.memref_slice %arg5[%dma_start3A_134, %dma_start3A_135, %dma_start3A_136, %dma_start3A_137] : memref<2x4x2x128xi32, #tpu.memory_space<vmem>> -> memref<1x4x2x128xi32, #tpu.memory_space<vmem>>
    %dma_start3A_139 = tpu.memref_squeeze %dma_start3A_138 : memref<1x4x2x128xi32, #tpu.memory_space<vmem>> -> memref<4x2x128xi32, #tpu.memory_space<vmem>>
    %dma_start3A_140 = arith.constant 0 : i32
    %dma_start3A_141 = arith.constant 0 : i32
    %dma_start3A_142 = tpu.memref_slice %arg2[%select_n3A_115, %mul3A_133, %dma_start3A_140, %dma_start3A_141] : memref<200x32x2x128xi32, #tpu.memory_space<hbm>> -> memref<1x4x2x128xi32, #tpu.memory_space<hbm>>
    %dma_start3A_143 = tpu.memref_squeeze %dma_start3A_142 : memref<1x4x2x128xi32, #tpu.memory_space<hbm>> -> memref<4x2x128xi32, #tpu.memory_space<hbm>>
    %dma_start3A_144 = arith.constant 0 : i32
    %dma_start3A_145 = arith.constant 0 : i32
    %dma_start3A_146 = arith.constant 0 : i32
    %dma_start3A_147 = tpu.memref_slice %arg5[%dma_start3A_134, %dma_start3A_144, %dma_start3A_145, %dma_start3A_146] : memref<2x4x2x128xi32, #tpu.memory_space<vmem>> -> memref<1x4x2x128xi32, #tpu.memory_space<vmem>>
    %dma_start3A_148 = tpu.memref_squeeze %dma_start3A_147 : memref<1x4x2x128xi32, #tpu.memory_space<vmem>> -> memref<4x2x128xi32, #tpu.memory_space<vmem>>
    %dma_start3A_149 = arith.constant 0 : i32
    %dma_start3A_150 = arith.constant 0 : i32
    %dma_start3A_151 = tpu.memref_slice %arg2[%select_n3A_115, %mul3A_133, %dma_start3A_149, %dma_start3A_150] : memref<200x32x2x128xi32, #tpu.memory_space<hbm>> -> memref<1x4x2x128xi32, #tpu.memory_space<hbm>>
    %dma_start3A_152 = tpu.memref_squeeze %dma_start3A_151 : memref<1x4x2x128xi32, #tpu.memory_space<hbm>> -> memref<4x2x128xi32, #tpu.memory_space<hbm>>
    tpu.enqueue_dma source(%dma_start3A_152 : memref<4x2x128xi32, #tpu.memory_space<hbm>>) target(%dma_start3A_148 : memref<4x2x128xi32, #tpu.memory_space<vmem>>) target_semaphore(%arg16 : memref<!tpu.dma_semaphore, #tpu.memory_space<semaphore_mem>>)
    %scan3A = arith.constant 0 : i32
    %scan3A_153 = arith.constant 0 : i32
    %scan3A_154 = arith.constant 25 : i32
    %scan3A_155 = arith.addi %scan3A_153, %scan3A_154 : i32
    %scan3A_156 = arith.constant 1 : i32
    scf.for %scan3A_193 = %scan3A_153 to %scan3A_155 step %scan3A_156  : i32 {
      %mul3A_194 = arith.constant 2 : i32
      %mul3A_195 = arith.muli %mul3A_194, %scan3A_193 : i32
      %mul3A_196 = arith.constant 50 : i32
      %mul3A_197 = arith.muli %add3A, %mul3A_196 : i32
      %add3A_198 = arith.addi %mul3A_197, %mul3A_195 : i32
      %jit3A_199 = arith.constant 8 : i32
      %div3A_200 = arith.divsi %add3A_198, %jit3A_199 : i32
      %sign3A_201 = arith.constant 0 : i32
      %sign3A_202 = arith.cmpi sgt, %add3A_198, %sign3A_201 : i32
      %sign3A_203 = arith.extui %sign3A_202 : i1 to i32
      %sign3A_204 = arith.constant 0 : i32
      %sign3A_205 = arith.cmpi slt, %add3A_198, %sign3A_204 : i32
      %sign3A_206 = arith.extui %sign3A_205 : i1 to i32
      %sign3A_207 = arith.subi %sign3A_203, %sign3A_206 : i32
      %sign3A_208 = arith.constant 0 : i32
      %sign3A_209 = arith.cmpi sgt, %jit3A_199, %sign3A_208 : i32
      %sign3A_210 = arith.extui %sign3A_209 : i1 to i32
      %sign3A_211 = arith.constant 0 : i32
      %sign3A_212 = arith.cmpi slt, %jit3A_199, %sign3A_211 : i32
      %sign3A_213 = arith.extui %sign3A_212 : i1 to i32
      %sign3A_214 = arith.subi %sign3A_210, %sign3A_213 : i32
      %ne3A_215 = arith.cmpi ne, %sign3A_207, %sign3A_214 : i32
      %rem3A_216 = arith.remsi %add3A_198, %jit3A_199 : i32
      %ne3A_217 = arith.constant 0 : i32
      %ne3A_218 = arith.cmpi ne, %rem3A_216, %ne3A_217 : i32
      %and3A_219 = arith.andi %ne3A_215, %ne3A_218 : i1
      %sub3A_220 = arith.constant 1 : i32
      %sub3A_221 = arith.subi %div3A_200, %sub3A_220 : i32
      %select_n3A_222 = arith.select %and3A_219, %sub3A_221, %div3A_200 : i32
      %jit3A_223 = arith.constant 8 : i32
      %eq3A_224 = arith.constant 0 : i32
      %eq3A_225 = arith.cmpi eq, %jit3A_223, %eq3A_224 : i32
      %jit3A_226 = arith.constant 1 : i32
      %select_n3A_227 = arith.select %eq3A_225, %jit3A_226, %jit3A_223 : i32
      %rem3A_228 = arith.remsi %add3A_198, %select_n3A_227 : i32
      %ne3A_229 = arith.constant 0 : i32
      %ne3A_230 = arith.cmpi ne, %rem3A_228, %ne3A_229 : i32
      %lt3A_231 = arith.constant 0 : i32
      %lt3A_232 = arith.cmpi slt, %rem3A_228, %lt3A_231 : i32
      %lt3A_233 = arith.constant 0 : i32
      %lt3A_234 = arith.cmpi slt, %select_n3A_227, %lt3A_233 : i32
      %ne3A_235 = arith.xori %lt3A_232, %lt3A_234 : i1
      %and3A_236 = arith.andi %ne3A_235, %ne3A_230 : i1
      %add3A_237 = arith.addi %rem3A_228, %select_n3A_227 : i32
      %select_n3A_238 = arith.select %and3A_236, %add3A_237, %rem3A_228 : i32
      %mul3A_239 = arith.constant 4 : i32
      %mul3A_240 = arith.muli %select_n3A_238, %mul3A_239 : i32
      %lt3A_241 = arith.constant 49 : i32
      %lt3A_242 = arith.cmpi slt, %mul3A_195, %lt3A_241 : i32
      %convert_element_type3A = arith.extui %lt3A_242 : i1 to i32
      %cond3A = arith.constant 0 : i32
      %cond3A_243 = arith.cmpi ne, %convert_element_type3A, %cond3A : i32
      scf.if %cond3A_243 {
        %dma_wait3A_687 = arith.constant 0 : i32
        %dma_wait3A_688 = arith.constant 1 : i32
        %dma_wait3A_689 = arith.constant 0 : i32
        %dma_wait3A_690 = arith.constant 0 : i32
        %dma_wait3A_691 = arith.constant 0 : i32
        %dma_wait3A_692 = tpu.memref_slice %arg5[%dma_wait3A_688, %dma_wait3A_689, %dma_wait3A_690, %dma_wait3A_691] : memref<2x4x2x128xi32, #tpu.memory_space<vmem>> -> memref<1x4x2x128xi32, #tpu.memory_space<vmem>>
        %dma_wait3A_693 = tpu.memref_squeeze %dma_wait3A_692 : memref<1x4x2x128xi32, #tpu.memory_space<vmem>> -> memref<4x2x128xi32, #tpu.memory_space<vmem>>
        %dma_wait3A_694 = arith.constant 0 : i32
        %dma_wait3A_695 = arith.constant 0 : i32
        %dma_wait3A_696 = arith.constant 0 : i32
        %dma_wait3A_697 = tpu.memref_slice %arg2[%dma_wait3A_687, %dma_wait3A_694, %dma_wait3A_695, %dma_wait3A_696] : memref<200x32x2x128xi32, #tpu.memory_space<hbm>> -> memref<1x4x2x128xi32, #tpu.memory_space<hbm>>
        %dma_wait3A_698 = tpu.memref_squeeze %dma_wait3A_697 : memref<1x4x2x128xi32, #tpu.memory_space<hbm>> -> memref<4x2x128xi32, #tpu.memory_space<hbm>>
        %dma_wait3A_699 = arith.constant 0 : i32
        %dma_wait3A_700 = arith.constant 0 : i32
        %dma_wait3A_701 = arith.constant 0 : i32
        %dma_wait3A_702 = tpu.memref_slice %arg5[%dma_wait3A_688, %dma_wait3A_699, %dma_wait3A_700, %dma_wait3A_701] : memref<2x4x2x128xi32, #tpu.memory_space<vmem>> -> memref<1x4x2x128xi32, #tpu.memory_space<vmem>>
        %dma_wait3A_703 = tpu.memref_squeeze %dma_wait3A_702 : memref<1x4x2x128xi32, #tpu.memory_space<vmem>> -> memref<4x2x128xi32, #tpu.memory_space<vmem>>
        %dma_wait3A_704 = arith.constant 0 : i32
        %dma_wait3A_705 = arith.constant 0 : i32
        %dma_wait3A_706 = arith.constant 0 : i32
        %dma_wait3A_707 = tpu.memref_slice %arg2[%dma_wait3A_687, %dma_wait3A_704, %dma_wait3A_705, %dma_wait3A_706] : memref<200x32x2x128xi32, #tpu.memory_space<hbm>> -> memref<1x4x2x128xi32, #tpu.memory_space<hbm>>
        %dma_wait3A_708 = tpu.memref_squeeze %dma_wait3A_707 : memref<1x4x2x128xi32, #tpu.memory_space<hbm>> -> memref<4x2x128xi32, #tpu.memory_space<hbm>>
        tpu.wait_dma2 semaphore(%arg16 : memref<!tpu.dma_semaphore, #tpu.memory_space<semaphore_mem>>) src(%dma_wait3A_708 : memref<4x2x128xi32, #tpu.memory_space<hbm>>) dst(%dma_wait3A_703 : memref<4x2x128xi32, #tpu.memory_space<vmem>>)
        %dma_start3A_709 = arith.constant 1 : i32
        %dma_start3A_710 = arith.constant 0 : i32
        %dma_start3A_711 = arith.constant 0 : i32
        %dma_start3A_712 = arith.constant 1 : i32
        %dma_start3A_713 = arith.constant 0 : i32
        %dma_start3A_714 = arith.constant 0 : i32
        %dma_start3A_715 = tpu.memref_slice %arg6[%dma_start3A_712, %dma_start3A_713, %dma_start3A_714] : memref<2x512x32xf32, #tpu.memory_space<vmem>> -> memref<1x128x32xf32, #tpu.memory_space<vmem>>
        %dma_start3A_716 = tpu.memref_squeeze %dma_start3A_715 : memref<1x128x32xf32, #tpu.memory_space<vmem>> -> memref<128x32xf32, #tpu.memory_space<vmem>>
        %dma_start3A_717 = arith.constant 0 : i32
        %dma_start3A_718 = tpu.memref_slice %arg5[%dma_start3A_709, %dma_start3A_710, %dma_start3A_711, %dma_start3A_717] : memref<2x4x2x128xi32, #tpu.memory_space<vmem>> -> memref<1x1x1x128xi32, #tpu.memory_space<vmem>>
        %dma_start3A_719 = tpu.memref_squeeze %dma_start3A_718 : memref<1x1x1x128xi32, #tpu.memory_space<vmem>> -> memref<128xi32, #tpu.memory_space<vmem>>
        %dma_start3A_720 = arith.constant 0 : i32
        %dma_start3A_721 = arith.constant 0 : i32
        %dma_start3A_722 = tpu.memref_slice %arg3[%dma_start3A_720, %dma_start3A_721] : memref<1000001x32xf32, #tpu.memory_space<hbm>> -> memref<1000001x32xf32, #tpu.memory_space<hbm>>
        tpu.enqueue_indirect_dma source(%dma_start3A_722 : memref<1000001x32xf32, #tpu.memory_space<hbm>>) target(%dma_start3A_716 : memref<128x32xf32, #tpu.memory_space<vmem>>) offsets(%dma_start3A_719 : memref<128xi32, #tpu.memory_space<vmem>>) semaphore(%arg11 : memref<!tpu.dma_semaphore, #tpu.memory_space<semaphore_mem>>)
        %dma_start3A_723 = arith.constant 1 : i32
        %dma_start3A_724 = arith.constant 1 : i32
        %dma_start3A_725 = arith.constant 0 : i32
        %dma_start3A_726 = arith.constant 1 : i32
        %dma_start3A_727 = arith.constant 128 : i32
        %dma_start3A_728 = arith.constant 0 : i32
        %dma_start3A_729 = tpu.memref_slice %arg6[%dma_start3A_726, %dma_start3A_727, %dma_start3A_728] : memref<2x512x32xf32, #tpu.memory_space<vmem>> -> memref<1x128x32xf32, #tpu.memory_space<vmem>>
        %dma_start3A_730 = tpu.memref_squeeze %dma_start3A_729 : memref<1x128x32xf32, #tpu.memory_space<vmem>> -> memref<128x32xf32, #tpu.memory_space<vmem>>
        %dma_start3A_731 = arith.constant 0 : i32
        %dma_start3A_732 = tpu.memref_slice %arg5[%dma_start3A_723, %dma_start3A_724, %dma_start3A_725, %dma_start3A_731] : memref<2x4x2x128xi32, #tpu.memory_space<vmem>> -> memref<1x1x1x128xi32, #tpu.memory_space<vmem>>
        %dma_start3A_733 = tpu.memref_squeeze %dma_start3A_732 : memref<1x1x1x128xi32, #tpu.memory_space<vmem>> -> memref<128xi32, #tpu.memory_space<vmem>>
        %dma_start3A_734 = arith.constant 0 : i32
        %dma_start3A_735 = arith.constant 0 : i32
        %dma_start3A_736 = tpu.memref_slice %arg3[%dma_start3A_734, %dma_start3A_735] : memref<1000001x32xf32, #tpu.memory_space<hbm>> -> memref<1000001x32xf32, #tpu.memory_space<hbm>>
        tpu.enqueue_indirect_dma source(%dma_start3A_736 : memref<1000001x32xf32, #tpu.memory_space<hbm>>) target(%dma_start3A_730 : memref<128x32xf32, #tpu.memory_space<vmem>>) offsets(%dma_start3A_733 : memref<128xi32, #tpu.memory_space<vmem>>) semaphore(%arg12 : memref<!tpu.dma_semaphore, #tpu.memory_space<semaphore_mem>>)
        %dma_start3A_737 = arith.constant 1 : i32
        %dma_start3A_738 = arith.constant 2 : i32
        %dma_start3A_739 = arith.constant 0 : i32
        %dma_start3A_740 = arith.constant 1 : i32
        %dma_start3A_741 = arith.constant 256 : i32
        %dma_start3A_742 = arith.constant 0 : i32
        %dma_start3A_743 = tpu.memref_slice %arg6[%dma_start3A_740, %dma_start3A_741, %dma_start3A_742] : memref<2x512x32xf32, #tpu.memory_space<vmem>> -> memref<1x128x32xf32, #tpu.memory_space<vmem>>
        %dma_start3A_744 = tpu.memref_squeeze %dma_start3A_743 : memref<1x128x32xf32, #tpu.memory_space<vmem>> -> memref<128x32xf32, #tpu.memory_space<vmem>>
        %dma_start3A_745 = arith.constant 0 : i32
        %dma_start3A_746 = tpu.memref_slice %arg5[%dma_start3A_737, %dma_start3A_738, %dma_start3A_739, %dma_start3A_745] : memref<2x4x2x128xi32, #tpu.memory_space<vmem>> -> memref<1x1x1x128xi32, #tpu.memory_space<vmem>>
        %dma_start3A_747 = tpu.memref_squeeze %dma_start3A_746 : memref<1x1x1x128xi32, #tpu.memory_space<vmem>> -> memref<128xi32, #tpu.memory_space<vmem>>
        %dma_start3A_748 = arith.constant 0 : i32
        %dma_start3A_749 = arith.constant 0 : i32
        %dma_start3A_750 = tpu.memref_slice %arg3[%dma_start3A_748, %dma_start3A_749] : memref<1000001x32xf32, #tpu.memory_space<hbm>> -> memref<1000001x32xf32, #tpu.memory_space<hbm>>
        tpu.enqueue_indirect_dma source(%dma_start3A_750 : memref<1000001x32xf32, #tpu.memory_space<hbm>>) target(%dma_start3A_744 : memref<128x32xf32, #tpu.memory_space<vmem>>) offsets(%dma_start3A_747 : memref<128xi32, #tpu.memory_space<vmem>>) semaphore(%arg13 : memref<!tpu.dma_semaphore, #tpu.memory_space<semaphore_mem>>)
        %dma_start3A_751 = arith.constant 1 : i32
        %dma_start3A_752 = arith.constant 3 : i32
        %dma_start3A_753 = arith.constant 0 : i32
        %dma_start3A_754 = arith.constant 1 : i32
        %dma_start3A_755 = arith.constant 384 : i32
        %dma_start3A_756 = arith.constant 0 : i32
        %dma_start3A_757 = tpu.memref_slice %arg6[%dma_start3A_754, %dma_start3A_755, %dma_start3A_756] : memref<2x512x32xf32, #tpu.memory_space<vmem>> -> memref<1x128x32xf32, #tpu.memory_space<vmem>>
        %dma_start3A_758 = tpu.memref_squeeze %dma_start3A_757 : memref<1x128x32xf32, #tpu.memory_space<vmem>> -> memref<128x32xf32, #tpu.memory_space<vmem>>
        %dma_start3A_759 = arith.constant 0 : i32
        %dma_start3A_760 = tpu.memref_slice %arg5[%dma_start3A_751, %dma_start3A_752, %dma_start3A_753, %dma_start3A_759] : memref<2x4x2x128xi32, #tpu.memory_space<vmem>> -> memref<1x1x1x128xi32, #tpu.memory_space<vmem>>
        %dma_start3A_761 = tpu.memref_squeeze %dma_start3A_760 : memref<1x1x1x128xi32, #tpu.memory_space<vmem>> -> memref<128xi32, #tpu.memory_space<vmem>>
        %dma_start3A_762 = arith.constant 0 : i32
        %dma_start3A_763 = arith.constant 0 : i32
        %dma_start3A_764 = tpu.memref_slice %arg3[%dma_start3A_762, %dma_start3A_763] : memref<1000001x32xf32, #tpu.memory_space<hbm>> -> memref<1000001x32xf32, #tpu.memory_space<hbm>>
        tpu.enqueue_indirect_dma source(%dma_start3A_764 : memref<1000001x32xf32, #tpu.memory_space<hbm>>) target(%dma_start3A_758 : memref<128x32xf32, #tpu.memory_space<vmem>>) offsets(%dma_start3A_761 : memref<128xi32, #tpu.memory_space<vmem>>) semaphore(%arg14 : memref<!tpu.dma_semaphore, #tpu.memory_space<semaphore_mem>>)
      } else {
      }
      %dma_wait3A_244 = arith.constant 0 : i32
      %dma_wait3A_245 = arith.constant 0 : i32
      %dma_wait3A_246 = arith.constant 0 : i32
      %dma_wait3A_247 = arith.constant 0 : i32
      %dma_wait3A_248 = arith.constant 0 : i32
      %dma_wait3A_249 = arith.constant 0 : i32
      %dma_wait3A_250 = tpu.memref_slice %arg6[%dma_wait3A_247, %dma_wait3A_248, %dma_wait3A_249] : memref<2x512x32xf32, #tpu.memory_space<vmem>> -> memref<1x128x32xf32, #tpu.memory_space<vmem>>
      %dma_wait3A_251 = tpu.memref_squeeze %dma_wait3A_250 : memref<1x128x32xf32, #tpu.memory_space<vmem>> -> memref<128x32xf32, #tpu.memory_space<vmem>>
      %dma_wait3A_252 = arith.constant 0 : i32
      %dma_wait3A_253 = tpu.memref_slice %arg5[%dma_wait3A_244, %dma_wait3A_245, %dma_wait3A_246, %dma_wait3A_252] : memref<2x4x2x128xi32, #tpu.memory_space<vmem>> -> memref<1x1x1x128xi32, #tpu.memory_space<vmem>>
      %dma_wait3A_254 = tpu.memref_squeeze %dma_wait3A_253 : memref<1x1x1x128xi32, #tpu.memory_space<vmem>> -> memref<128xi32, #tpu.memory_space<vmem>>
      %dma_wait3A_255 = arith.constant 0 : i32
      %dma_wait3A_256 = arith.constant 0 : i32
      %dma_wait3A_257 = tpu.memref_slice %arg3[%dma_wait3A_255, %dma_wait3A_256] : memref<1000001x32xf32, #tpu.memory_space<hbm>> -> memref<1000001x32xf32, #tpu.memory_space<hbm>>
      tpu.wait_indirect_dma semaphore(%arg7 : memref<!tpu.dma_semaphore, #tpu.memory_space<semaphore_mem>>) src(%dma_wait3A_257 : memref<1000001x32xf32, #tpu.memory_space<hbm>>) dst(%dma_wait3A_251 : memref<128x32xf32, #tpu.memory_space<vmem>>)
      %dma_start3A_258 = arith.constant 0 : i32
      %dma_start3A_259 = arith.constant 0 : i32
      %dma_start3A_260 = arith.constant 1 : i32
      %dma_start3A_261 = arith.constant 0 : i32
      %dma_start3A_262 = arith.constant 0 : i32
      %dma_start3A_263 = arith.constant 0 : i32
      %dma_start3A_264 = tpu.memref_slice %arg6[%dma_start3A_261, %dma_start3A_262, %dma_start3A_263] : memref<2x512x32xf32, #tpu.memory_space<vmem>> -> memref<1x128x32xf32, #tpu.memory_space<vmem>>
      %dma_start3A_265 = tpu.memref_squeeze %dma_start3A_264 : memref<1x128x32xf32, #tpu.memory_space<vmem>> -> memref<128x32xf32, #tpu.memory_space<vmem>>
      %dma_start3A_266 = arith.constant 0 : i32
      %dma_start3A_267 = tpu.memref_slice %arg5[%dma_start3A_258, %dma_start3A_259, %dma_start3A_260, %dma_start3A_266] : memref<2x4x2x128xi32, #tpu.memory_space<vmem>> -> memref<1x1x1x128xi32, #tpu.memory_space<vmem>>
      %dma_start3A_268 = tpu.memref_squeeze %dma_start3A_267 : memref<1x1x1x128xi32, #tpu.memory_space<vmem>> -> memref<128xi32, #tpu.memory_space<vmem>>
      %dma_start3A_269 = arith.constant 0 : i32
      %dma_start3A_270 = arith.constant 0 : i32
      %dma_start3A_271 = tpu.memref_slice %arg3[%dma_start3A_269, %dma_start3A_270] : memref<1000001x32xf32, #tpu.memory_space<hbm>> -> memref<1000001x32xf32, #tpu.memory_space<hbm>>
      tpu.enqueue_indirect_dma source(%dma_start3A_271 : memref<1000001x32xf32, #tpu.memory_space<hbm>>) target(%dma_start3A_265 : memref<128x32xf32, #tpu.memory_space<vmem>>) offsets(%dma_start3A_268 : memref<128xi32, #tpu.memory_space<vmem>>) semaphore(%arg7 : memref<!tpu.dma_semaphore, #tpu.memory_space<semaphore_mem>>) {add = true}
      %dma_wait3A_272 = arith.constant 0 : i32
      %dma_wait3A_273 = arith.constant 1 : i32
      %dma_wait3A_274 = arith.constant 0 : i32
      %dma_wait3A_275 = arith.constant 0 : i32
      %dma_wait3A_276 = arith.constant 128 : i32
      %dma_wait3A_277 = arith.constant 0 : i32
      %dma_wait3A_278 = tpu.memref_slice %arg6[%dma_wait3A_275, %dma_wait3A_276, %dma_wait3A_277] : memref<2x512x32xf32, #tpu.memory_space<vmem>> -> memref<1x128x32xf32, #tpu.memory_space<vmem>>
      %dma_wait3A_279 = tpu.memref_squeeze %dma_wait3A_278 : memref<1x128x32xf32, #tpu.memory_space<vmem>> -> memref<128x32xf32, #tpu.memory_space<vmem>>
      %dma_wait3A_280 = arith.constant 0 : i32
      %dma_wait3A_281 = tpu.memref_slice %arg5[%dma_wait3A_272, %dma_wait3A_273, %dma_wait3A_274, %dma_wait3A_280] : memref<2x4x2x128xi32, #tpu.memory_space<vmem>> -> memref<1x1x1x128xi32, #tpu.memory_space<vmem>>
      %dma_wait3A_282 = tpu.memref_squeeze %dma_wait3A_281 : memref<1x1x1x128xi32, #tpu.memory_space<vmem>> -> memref<128xi32, #tpu.memory_space<vmem>>
      %dma_wait3A_283 = arith.constant 0 : i32
      %dma_wait3A_284 = arith.constant 0 : i32
      %dma_wait3A_285 = tpu.memref_slice %arg3[%dma_wait3A_283, %dma_wait3A_284] : memref<1000001x32xf32, #tpu.memory_space<hbm>> -> memref<1000001x32xf32, #tpu.memory_space<hbm>>
      tpu.wait_indirect_dma semaphore(%arg8 : memref<!tpu.dma_semaphore, #tpu.memory_space<semaphore_mem>>) src(%dma_wait3A_285 : memref<1000001x32xf32, #tpu.memory_space<hbm>>) dst(%dma_wait3A_279 : memref<128x32xf32, #tpu.memory_space<vmem>>)
      %dma_start3A_286 = arith.constant 0 : i32
      %dma_start3A_287 = arith.constant 1 : i32
      %dma_start3A_288 = arith.constant 1 : i32
      %dma_start3A_289 = arith.constant 0 : i32
      %dma_start3A_290 = arith.constant 128 : i32
      %dma_start3A_291 = arith.constant 0 : i32
      %dma_start3A_292 = tpu.memref_slice %arg6[%dma_start3A_289, %dma_start3A_290, %dma_start3A_291] : memref<2x512x32xf32, #tpu.memory_space<vmem>> -> memref<1x128x32xf32, #tpu.memory_space<vmem>>
      %dma_start3A_293 = tpu.memref_squeeze %dma_start3A_292 : memref<1x128x32xf32, #tpu.memory_space<vmem>> -> memref<128x32xf32, #tpu.memory_space<vmem>>
      %dma_start3A_294 = arith.constant 0 : i32
      %dma_start3A_295 = tpu.memref_slice %arg5[%dma_start3A_286, %dma_start3A_287, %dma_start3A_288, %dma_start3A_294] : memref<2x4x2x128xi32, #tpu.memory_space<vmem>> -> memref<1x1x1x128xi32, #tpu.memory_space<vmem>>
      %dma_start3A_296 = tpu.memref_squeeze %dma_start3A_295 : memref<1x1x1x128xi32, #tpu.memory_space<vmem>> -> memref<128xi32, #tpu.memory_space<vmem>>
      %dma_start3A_297 = arith.constant 0 : i32
      %dma_start3A_298 = arith.constant 0 : i32
      %dma_start3A_299 = tpu.memref_slice %arg3[%dma_start3A_297, %dma_start3A_298] : memref<1000001x32xf32, #tpu.memory_space<hbm>> -> memref<1000001x32xf32, #tpu.memory_space<hbm>>
      tpu.enqueue_indirect_dma source(%dma_start3A_299 : memref<1000001x32xf32, #tpu.memory_space<hbm>>) target(%dma_start3A_293 : memref<128x32xf32, #tpu.memory_space<vmem>>) offsets(%dma_start3A_296 : memref<128xi32, #tpu.memory_space<vmem>>) semaphore(%arg8 : memref<!tpu.dma_semaphore, #tpu.memory_space<semaphore_mem>>) {add = true}
      %dma_wait3A_300 = arith.constant 0 : i32
      %dma_wait3A_301 = arith.constant 2 : i32
      %dma_wait3A_302 = arith.constant 0 : i32
      %dma_wait3A_303 = arith.constant 0 : i32
      %dma_wait3A_304 = arith.constant 256 : i32
      %dma_wait3A_305 = arith.constant 0 : i32
      %dma_wait3A_306 = tpu.memref_slice %arg6[%dma_wait3A_303, %dma_wait3A_304, %dma_wait3A_305] : memref<2x512x32xf32, #tpu.memory_space<vmem>> -> memref<1x128x32xf32, #tpu.memory_space<vmem>>
      %dma_wait3A_307 = tpu.memref_squeeze %dma_wait3A_306 : memref<1x128x32xf32, #tpu.memory_space<vmem>> -> memref<128x32xf32, #tpu.memory_space<vmem>>
      %dma_wait3A_308 = arith.constant 0 : i32
      %dma_wait3A_309 = tpu.memref_slice %arg5[%dma_wait3A_300, %dma_wait3A_301, %dma_wait3A_302, %dma_wait3A_308] : memref<2x4x2x128xi32, #tpu.memory_space<vmem>> -> memref<1x1x1x128xi32, #tpu.memory_space<vmem>>
      %dma_wait3A_310 = tpu.memref_squeeze %dma_wait3A_309 : memref<1x1x1x128xi32, #tpu.memory_space<vmem>> -> memref<128xi32, #tpu.memory_space<vmem>>
      %dma_wait3A_311 = arith.constant 0 : i32
      %dma_wait3A_312 = arith.constant 0 : i32
      %dma_wait3A_313 = tpu.memref_slice %arg3[%dma_wait3A_311, %dma_wait3A_312] : memref<1000001x32xf32, #tpu.memory_space<hbm>> -> memref<1000001x32xf32, #tpu.memory_space<hbm>>
      tpu.wait_indirect_dma semaphore(%arg9 : memref<!tpu.dma_semaphore, #tpu.memory_space<semaphore_mem>>) src(%dma_wait3A_313 : memref<1000001x32xf32, #tpu.memory_space<hbm>>) dst(%dma_wait3A_307 : memref<128x32xf32, #tpu.memory_space<vmem>>)
      %dma_start3A_314 = arith.constant 0 : i32
      %dma_start3A_315 = arith.constant 2 : i32
      %dma_start3A_316 = arith.constant 1 : i32
      %dma_start3A_317 = arith.constant 0 : i32
      %dma_start3A_318 = arith.constant 256 : i32
      %dma_start3A_319 = arith.constant 0 : i32
      %dma_start3A_320 = tpu.memref_slice %arg6[%dma_start3A_317, %dma_start3A_318, %dma_start3A_319] : memref<2x512x32xf32, #tpu.memory_space<vmem>> -> memref<1x128x32xf32, #tpu.memory_space<vmem>>
      %dma_start3A_321 = tpu.memref_squeeze %dma_start3A_320 : memref<1x128x32xf32, #tpu.memory_space<vmem>> -> memref<128x32xf32, #tpu.memory_space<vmem>>
      %dma_start3A_322 = arith.constant 0 : i32
      %dma_start3A_323 = tpu.memref_slice %arg5[%dma_start3A_314, %dma_start3A_315, %dma_start3A_316, %dma_start3A_322] : memref<2x4x2x128xi32, #tpu.memory_space<vmem>> -> memref<1x1x1x128xi32, #tpu.memory_space<vmem>>
      %dma_start3A_324 = tpu.memref_squeeze %dma_start3A_323 : memref<1x1x1x128xi32, #tpu.memory_space<vmem>> -> memref<128xi32, #tpu.memory_space<vmem>>
      %dma_start3A_325 = arith.constant 0 : i32
      %dma_start3A_326 = arith.constant 0 : i32
      %dma_start3A_327 = tpu.memref_slice %arg3[%dma_start3A_325, %dma_start3A_326] : memref<1000001x32xf32, #tpu.memory_space<hbm>> -> memref<1000001x32xf32, #tpu.memory_space<hbm>>
      tpu.enqueue_indirect_dma source(%dma_start3A_327 : memref<1000001x32xf32, #tpu.memory_space<hbm>>) target(%dma_start3A_321 : memref<128x32xf32, #tpu.memory_space<vmem>>) offsets(%dma_start3A_324 : memref<128xi32, #tpu.memory_space<vmem>>) semaphore(%arg9 : memref<!tpu.dma_semaphore, #tpu.memory_space<semaphore_mem>>) {add = true}
      %dma_wait3A_328 = arith.constant 0 : i32
      %dma_wait3A_329 = arith.constant 3 : i32
      %dma_wait3A_330 = arith.constant 0 : i32
      %dma_wait3A_331 = arith.constant 0 : i32
      %dma_wait3A_332 = arith.constant 384 : i32
      %dma_wait3A_333 = arith.constant 0 : i32
      %dma_wait3A_334 = tpu.memref_slice %arg6[%dma_wait3A_331, %dma_wait3A_332, %dma_wait3A_333] : memref<2x512x32xf32, #tpu.memory_space<vmem>> -> memref<1x128x32xf32, #tpu.memory_space<vmem>>
      %dma_wait3A_335 = tpu.memref_squeeze %dma_wait3A_334 : memref<1x128x32xf32, #tpu.memory_space<vmem>> -> memref<128x32xf32, #tpu.memory_space<vmem>>
      %dma_wait3A_336 = arith.constant 0 : i32
      %dma_wait3A_337 = tpu.memref_slice %arg5[%dma_wait3A_328, %dma_wait3A_329, %dma_wait3A_330, %dma_wait3A_336] : memref<2x4x2x128xi32, #tpu.memory_space<vmem>> -> memref<1x1x1x128xi32, #tpu.memory_space<vmem>>
      %dma_wait3A_338 = tpu.memref_squeeze %dma_wait3A_337 : memref<1x1x1x128xi32, #tpu.memory_space<vmem>> -> memref<128xi32, #tpu.memory_space<vmem>>
      %dma_wait3A_339 = arith.constant 0 : i32
      %dma_wait3A_340 = arith.constant 0 : i32
      %dma_wait3A_341 = tpu.memref_slice %arg3[%dma_wait3A_339, %dma_wait3A_340] : memref<1000001x32xf32, #tpu.memory_space<hbm>> -> memref<1000001x32xf32, #tpu.memory_space<hbm>>
      tpu.wait_indirect_dma semaphore(%arg10 : memref<!tpu.dma_semaphore, #tpu.memory_space<semaphore_mem>>) src(%dma_wait3A_341 : memref<1000001x32xf32, #tpu.memory_space<hbm>>) dst(%dma_wait3A_335 : memref<128x32xf32, #tpu.memory_space<vmem>>)
      %dma_start3A_342 = arith.constant 0 : i32
      %dma_start3A_343 = arith.constant 3 : i32
      %dma_start3A_344 = arith.constant 1 : i32
      %dma_start3A_345 = arith.constant 0 : i32
      %dma_start3A_346 = arith.constant 384 : i32
      %dma_start3A_347 = arith.constant 0 : i32
      %dma_start3A_348 = tpu.memref_slice %arg6[%dma_start3A_345, %dma_start3A_346, %dma_start3A_347] : memref<2x512x32xf32, #tpu.memory_space<vmem>> -> memref<1x128x32xf32, #tpu.memory_space<vmem>>
      %dma_start3A_349 = tpu.memref_squeeze %dma_start3A_348 : memref<1x128x32xf32, #tpu.memory_space<vmem>> -> memref<128x32xf32, #tpu.memory_space<vmem>>
      %dma_start3A_350 = arith.constant 0 : i32
      %dma_start3A_351 = tpu.memref_slice %arg5[%dma_start3A_342, %dma_start3A_343, %dma_start3A_344, %dma_start3A_350] : memref<2x4x2x128xi32, #tpu.memory_space<vmem>> -> memref<1x1x1x128xi32, #tpu.memory_space<vmem>>
      %dma_start3A_352 = tpu.memref_squeeze %dma_start3A_351 : memref<1x1x1x128xi32, #tpu.memory_space<vmem>> -> memref<128xi32, #tpu.memory_space<vmem>>
      %dma_start3A_353 = arith.constant 0 : i32
      %dma_start3A_354 = arith.constant 0 : i32
      %dma_start3A_355 = tpu.memref_slice %arg3[%dma_start3A_353, %dma_start3A_354] : memref<1000001x32xf32, #tpu.memory_space<hbm>> -> memref<1000001x32xf32, #tpu.memory_space<hbm>>
      tpu.enqueue_indirect_dma source(%dma_start3A_355 : memref<1000001x32xf32, #tpu.memory_space<hbm>>) target(%dma_start3A_349 : memref<128x32xf32, #tpu.memory_space<vmem>>) offsets(%dma_start3A_352 : memref<128xi32, #tpu.memory_space<vmem>>) semaphore(%arg10 : memref<!tpu.dma_semaphore, #tpu.memory_space<semaphore_mem>>) {add = true}
      %ge3A = arith.constant 2 : i32
      %ge3A_356 = arith.cmpi sge, %mul3A_195, %ge3A : i32
      %convert_element_type3A_357 = arith.extui %ge3A_356 : i1 to i32
      %cond3A_358 = arith.constant 0 : i32
      %cond3A_359 = arith.cmpi ne, %convert_element_type3A_357, %cond3A_358 : i32
      scf.if %cond3A_359 {
        %dma_wait3A_687 = arith.constant 0 : i32
        %dma_wait3A_688 = arith.constant 0 : i32
        %dma_wait3A_689 = arith.constant 0 : i32
        %dma_wait3A_690 = arith.constant 0 : i32
        %dma_wait3A_691 = tpu.memref_slice %arg6[%dma_wait3A_687, %dma_wait3A_689, %dma_wait3A_690] : memref<2x512x32xf32, #tpu.memory_space<vmem>> -> memref<1x512x32xf32, #tpu.memory_space<vmem>>
        %dma_wait3A_692 = tpu.memref_squeeze %dma_wait3A_691 : memref<1x512x32xf32, #tpu.memory_space<vmem>> -> memref<512x32xf32, #tpu.memory_space<vmem>>
        %dma_wait3A_693 = arith.constant 0 : i32
        %dma_wait3A_694 = arith.constant 0 : i32
        %dma_wait3A_695 = tpu.memref_slice %arg4[%dma_wait3A_688, %dma_wait3A_693, %dma_wait3A_694] : memref<200x4096x32xf32, #tpu.memory_space<hbm>> -> memref<1x512x32xf32, #tpu.memory_space<hbm>>
        %dma_wait3A_696 = tpu.memref_squeeze %dma_wait3A_695 : memref<1x512x32xf32, #tpu.memory_space<hbm>> -> memref<512x32xf32, #tpu.memory_space<hbm>>
        %dma_wait3A_697 = arith.constant 0 : i32
        %dma_wait3A_698 = arith.constant 0 : i32
        %dma_wait3A_699 = tpu.memref_slice %arg4[%dma_wait3A_688, %dma_wait3A_697, %dma_wait3A_698] : memref<200x4096x32xf32, #tpu.memory_space<hbm>> -> memref<1x512x32xf32, #tpu.memory_space<hbm>>
        %dma_wait3A_700 = tpu.memref_squeeze %dma_wait3A_699 : memref<1x512x32xf32, #tpu.memory_space<hbm>> -> memref<512x32xf32, #tpu.memory_space<hbm>>
        %dma_wait3A_701 = arith.constant 0 : i32
        %dma_wait3A_702 = arith.constant 0 : i32
        %dma_wait3A_703 = tpu.memref_slice %arg6[%dma_wait3A_687, %dma_wait3A_701, %dma_wait3A_702] : memref<2x512x32xf32, #tpu.memory_space<vmem>> -> memref<1x512x32xf32, #tpu.memory_space<vmem>>
        %dma_wait3A_704 = tpu.memref_squeeze %dma_wait3A_703 : memref<1x512x32xf32, #tpu.memory_space<vmem>> -> memref<512x32xf32, #tpu.memory_space<vmem>>
        tpu.wait_dma2 semaphore(%arg17 : memref<!tpu.dma_semaphore, #tpu.memory_space<semaphore_mem>>) src(%dma_wait3A_704 : memref<512x32xf32, #tpu.memory_space<vmem>>) dst(%dma_wait3A_700 : memref<512x32xf32, #tpu.memory_space<hbm>>)
      } else {
      }
      %dma_wait3A_360 = arith.constant 0 : i32
      %dma_wait3A_361 = arith.constant 0 : i32
      %dma_wait3A_362 = arith.constant 1 : i32
      %dma_wait3A_363 = arith.constant 0 : i32
      %dma_wait3A_364 = arith.constant 0 : i32
      %dma_wait3A_365 = arith.constant 0 : i32
      %dma_wait3A_366 = tpu.memref_slice %arg6[%dma_wait3A_363, %dma_wait3A_364, %dma_wait3A_365] : memref<2x512x32xf32, #tpu.memory_space<vmem>> -> memref<1x128x32xf32, #tpu.memory_space<vmem>>
      %dma_wait3A_367 = tpu.memref_squeeze %dma_wait3A_366 : memref<1x128x32xf32, #tpu.memory_space<vmem>> -> memref<128x32xf32, #tpu.memory_space<vmem>>
      %dma_wait3A_368 = arith.constant 0 : i32
      %dma_wait3A_369 = tpu.memref_slice %arg5[%dma_wait3A_360, %dma_wait3A_361, %dma_wait3A_362, %dma_wait3A_368] : memref<2x4x2x128xi32, #tpu.memory_space<vmem>> -> memref<1x1x1x128xi32, #tpu.memory_space<vmem>>
      %dma_wait3A_370 = tpu.memref_squeeze %dma_wait3A_369 : memref<1x1x1x128xi32, #tpu.memory_space<vmem>> -> memref<128xi32, #tpu.memory_space<vmem>>
      %dma_wait3A_371 = arith.constant 0 : i32
      %dma_wait3A_372 = arith.constant 0 : i32
      %dma_wait3A_373 = tpu.memref_slice %arg3[%dma_wait3A_371, %dma_wait3A_372] : memref<1000001x32xf32, #tpu.memory_space<hbm>> -> memref<1000001x32xf32, #tpu.memory_space<hbm>>
      tpu.wait_indirect_dma semaphore(%arg7 : memref<!tpu.dma_semaphore, #tpu.memory_space<semaphore_mem>>) src(%dma_wait3A_373 : memref<1000001x32xf32, #tpu.memory_space<hbm>>) dst(%dma_wait3A_367 : memref<128x32xf32, #tpu.memory_space<vmem>>)
      %dma_wait3A_374 = arith.constant 0 : i32
      %dma_wait3A_375 = arith.constant 1 : i32
      %dma_wait3A_376 = arith.constant 1 : i32
      %dma_wait3A_377 = arith.constant 0 : i32
      %dma_wait3A_378 = arith.constant 128 : i32
      %dma_wait3A_379 = arith.constant 0 : i32
      %dma_wait3A_380 = tpu.memref_slice %arg6[%dma_wait3A_377, %dma_wait3A_378, %dma_wait3A_379] : memref<2x512x32xf32, #tpu.memory_space<vmem>> -> memref<1x128x32xf32, #tpu.memory_space<vmem>>
      %dma_wait3A_381 = tpu.memref_squeeze %dma_wait3A_380 : memref<1x128x32xf32, #tpu.memory_space<vmem>> -> memref<128x32xf32, #tpu.memory_space<vmem>>
      %dma_wait3A_382 = arith.constant 0 : i32
      %dma_wait3A_383 = tpu.memref_slice %arg5[%dma_wait3A_374, %dma_wait3A_375, %dma_wait3A_376, %dma_wait3A_382] : memref<2x4x2x128xi32, #tpu.memory_space<vmem>> -> memref<1x1x1x128xi32, #tpu.memory_space<vmem>>
      %dma_wait3A_384 = tpu.memref_squeeze %dma_wait3A_383 : memref<1x1x1x128xi32, #tpu.memory_space<vmem>> -> memref<128xi32, #tpu.memory_space<vmem>>
      %dma_wait3A_385 = arith.constant 0 : i32
      %dma_wait3A_386 = arith.constant 0 : i32
      %dma_wait3A_387 = tpu.memref_slice %arg3[%dma_wait3A_385, %dma_wait3A_386] : memref<1000001x32xf32, #tpu.memory_space<hbm>> -> memref<1000001x32xf32, #tpu.memory_space<hbm>>
      tpu.wait_indirect_dma semaphore(%arg8 : memref<!tpu.dma_semaphore, #tpu.memory_space<semaphore_mem>>) src(%dma_wait3A_387 : memref<1000001x32xf32, #tpu.memory_space<hbm>>) dst(%dma_wait3A_381 : memref<128x32xf32, #tpu.memory_space<vmem>>)
      %dma_wait3A_388 = arith.constant 0 : i32
      %dma_wait3A_389 = arith.constant 2 : i32
      %dma_wait3A_390 = arith.constant 1 : i32
      %dma_wait3A_391 = arith.constant 0 : i32
      %dma_wait3A_392 = arith.constant 256 : i32
      %dma_wait3A_393 = arith.constant 0 : i32
      %dma_wait3A_394 = tpu.memref_slice %arg6[%dma_wait3A_391, %dma_wait3A_392, %dma_wait3A_393] : memref<2x512x32xf32, #tpu.memory_space<vmem>> -> memref<1x128x32xf32, #tpu.memory_space<vmem>>
      %dma_wait3A_395 = tpu.memref_squeeze %dma_wait3A_394 : memref<1x128x32xf32, #tpu.memory_space<vmem>> -> memref<128x32xf32, #tpu.memory_space<vmem>>
      %dma_wait3A_396 = arith.constant 0 : i32
      %dma_wait3A_397 = tpu.memref_slice %arg5[%dma_wait3A_388, %dma_wait3A_389, %dma_wait3A_390, %dma_wait3A_396] : memref<2x4x2x128xi32, #tpu.memory_space<vmem>> -> memref<1x1x1x128xi32, #tpu.memory_space<vmem>>
      %dma_wait3A_398 = tpu.memref_squeeze %dma_wait3A_397 : memref<1x1x1x128xi32, #tpu.memory_space<vmem>> -> memref<128xi32, #tpu.memory_space<vmem>>
      %dma_wait3A_399 = arith.constant 0 : i32
      %dma_wait3A_400 = arith.constant 0 : i32
      %dma_wait3A_401 = tpu.memref_slice %arg3[%dma_wait3A_399, %dma_wait3A_400] : memref<1000001x32xf32, #tpu.memory_space<hbm>> -> memref<1000001x32xf32, #tpu.memory_space<hbm>>
      tpu.wait_indirect_dma semaphore(%arg9 : memref<!tpu.dma_semaphore, #tpu.memory_space<semaphore_mem>>) src(%dma_wait3A_401 : memref<1000001x32xf32, #tpu.memory_space<hbm>>) dst(%dma_wait3A_395 : memref<128x32xf32, #tpu.memory_space<vmem>>)
      %dma_wait3A_402 = arith.constant 0 : i32
      %dma_wait3A_403 = arith.constant 3 : i32
      %dma_wait3A_404 = arith.constant 1 : i32
      %dma_wait3A_405 = arith.constant 0 : i32
      %dma_wait3A_406 = arith.constant 384 : i32
      %dma_wait3A_407 = arith.constant 0 : i32
      %dma_wait3A_408 = tpu.memref_slice %arg6[%dma_wait3A_405, %dma_wait3A_406, %dma_wait3A_407] : memref<2x512x32xf32, #tpu.memory_space<vmem>> -> memref<1x128x32xf32, #tpu.memory_space<vmem>>
      %dma_wait3A_409 = tpu.memref_squeeze %dma_wait3A_408 : memref<1x128x32xf32, #tpu.memory_space<vmem>> -> memref<128x32xf32, #tpu.memory_space<vmem>>
      %dma_wait3A_410 = arith.constant 0 : i32
      %dma_wait3A_411 = tpu.memref_slice %arg5[%dma_wait3A_402, %dma_wait3A_403, %dma_wait3A_404, %dma_wait3A_410] : memref<2x4x2x128xi32, #tpu.memory_space<vmem>> -> memref<1x1x1x128xi32, #tpu.memory_space<vmem>>
      %dma_wait3A_412 = tpu.memref_squeeze %dma_wait3A_411 : memref<1x1x1x128xi32, #tpu.memory_space<vmem>> -> memref<128xi32, #tpu.memory_space<vmem>>
      %dma_wait3A_413 = arith.constant 0 : i32
      %dma_wait3A_414 = arith.constant 0 : i32
      %dma_wait3A_415 = tpu.memref_slice %arg3[%dma_wait3A_413, %dma_wait3A_414] : memref<1000001x32xf32, #tpu.memory_space<hbm>> -> memref<1000001x32xf32, #tpu.memory_space<hbm>>
      tpu.wait_indirect_dma semaphore(%arg10 : memref<!tpu.dma_semaphore, #tpu.memory_space<semaphore_mem>>) src(%dma_wait3A_415 : memref<1000001x32xf32, #tpu.memory_space<hbm>>) dst(%dma_wait3A_409 : memref<128x32xf32, #tpu.memory_space<vmem>>)
      %lt3A_416 = arith.constant 48 : i32
      %lt3A_417 = arith.cmpi slt, %mul3A_195, %lt3A_416 : i32
      %convert_element_type3A_418 = arith.extui %lt3A_417 : i1 to i32
      %cond3A_419 = arith.constant 0 : i32
      %cond3A_420 = arith.cmpi ne, %convert_element_type3A_418, %cond3A_419 : i32
      scf.if %cond3A_420 {
        %add3A_687 = arith.constant 2 : i32
        %add3A_688 = arith.addi %add3A_198, %add3A_687 : i32
        %jit3A_689 = arith.constant 8 : i32
        %div3A_690 = arith.divsi %add3A_688, %jit3A_689 : i32
        %sign3A_691 = arith.constant 0 : i32
        %sign3A_692 = arith.cmpi sgt, %add3A_688, %sign3A_691 : i32
        %sign3A_693 = arith.extui %sign3A_692 : i1 to i32
        %sign3A_694 = arith.constant 0 : i32
        %sign3A_695 = arith.cmpi slt, %add3A_688, %sign3A_694 : i32
        %sign3A_696 = arith.extui %sign3A_695 : i1 to i32
        %sign3A_697 = arith.subi %sign3A_693, %sign3A_696 : i32
        %sign3A_698 = arith.constant 0 : i32
        %sign3A_699 = arith.cmpi sgt, %jit3A_689, %sign3A_698 : i32
        %sign3A_700 = arith.extui %sign3A_699 : i1 to i32
        %sign3A_701 = arith.constant 0 : i32
        %sign3A_702 = arith.cmpi slt, %jit3A_689, %sign3A_701 : i32
        %sign3A_703 = arith.extui %sign3A_702 : i1 to i32
        %sign3A_704 = arith.subi %sign3A_700, %sign3A_703 : i32
        %ne3A_705 = arith.cmpi ne, %sign3A_697, %sign3A_704 : i32
        %rem3A_706 = arith.remsi %add3A_688, %jit3A_689 : i32
        %ne3A_707 = arith.constant 0 : i32
        %ne3A_708 = arith.cmpi ne, %rem3A_706, %ne3A_707 : i32
        %and3A_709 = arith.andi %ne3A_705, %ne3A_708 : i1
        %sub3A_710 = arith.constant 1 : i32
        %sub3A_711 = arith.subi %div3A_690, %sub3A_710 : i32
        %select_n3A_712 = arith.select %and3A_709, %sub3A_711, %div3A_690 : i32
        %jit3A_713 = arith.constant 8 : i32
        %eq3A_714 = arith.constant 0 : i32
        %eq3A_715 = arith.cmpi eq, %jit3A_713, %eq3A_714 : i32
        %jit3A_716 = arith.constant 1 : i32
        %select_n3A_717 = arith.select %eq3A_715, %jit3A_716, %jit3A_713 : i32
        %rem3A_718 = arith.remsi %add3A_688, %select_n3A_717 : i32
        %ne3A_719 = arith.constant 0 : i32
        %ne3A_720 = arith.cmpi ne, %rem3A_718, %ne3A_719 : i32
        %lt3A_721 = arith.constant 0 : i32
        %lt3A_722 = arith.cmpi slt, %rem3A_718, %lt3A_721 : i32
        %lt3A_723 = arith.constant 0 : i32
        %lt3A_724 = arith.cmpi slt, %select_n3A_717, %lt3A_723 : i32
        %ne3A_725 = arith.xori %lt3A_722, %lt3A_724 : i1
        %and3A_726 = arith.andi %ne3A_725, %ne3A_720 : i1
        %add3A_727 = arith.addi %rem3A_718, %select_n3A_717 : i32
        %select_n3A_728 = arith.select %and3A_726, %add3A_727, %rem3A_718 : i32
        %mul3A_729 = arith.constant 4 : i32
        %mul3A_730 = arith.muli %select_n3A_728, %mul3A_729 : i32
        %dma_start3A_731 = arith.constant 0 : i32
        %dma_start3A_732 = arith.constant 0 : i32
        %dma_start3A_733 = arith.constant 0 : i32
        %dma_start3A_734 = arith.constant 0 : i32
        %dma_start3A_735 = tpu.memref_slice %arg5[%dma_start3A_731, %dma_start3A_732, %dma_start3A_733, %dma_start3A_734] : memref<2x4x2x128xi32, #tpu.memory_space<vmem>> -> memref<1x4x2x128xi32, #tpu.memory_space<vmem>>
        %dma_start3A_736 = tpu.memref_squeeze %dma_start3A_735 : memref<1x4x2x128xi32, #tpu.memory_space<vmem>> -> memref<4x2x128xi32, #tpu.memory_space<vmem>>
        %dma_start3A_737 = arith.constant 0 : i32
        %dma_start3A_738 = arith.constant 0 : i32
        %dma_start3A_739 = tpu.memref_slice %arg2[%select_n3A_712, %mul3A_730, %dma_start3A_737, %dma_start3A_738] : memref<200x32x2x128xi32, #tpu.memory_space<hbm>> -> memref<1x4x2x128xi32, #tpu.memory_space<hbm>>
        %dma_start3A_740 = tpu.memref_squeeze %dma_start3A_739 : memref<1x4x2x128xi32, #tpu.memory_space<hbm>> -> memref<4x2x128xi32, #tpu.memory_space<hbm>>
        %dma_start3A_741 = arith.constant 0 : i32
        %dma_start3A_742 = arith.constant 0 : i32
        %dma_start3A_743 = arith.constant 0 : i32
        %dma_start3A_744 = tpu.memref_slice %arg5[%dma_start3A_731, %dma_start3A_741, %dma_start3A_742, %dma_start3A_743] : memref<2x4x2x128xi32, #tpu.memory_space<vmem>> -> memref<1x4x2x128xi32, #tpu.memory_space<vmem>>
        %dma_start3A_745 = tpu.memref_squeeze %dma_start3A_744 : memref<1x4x2x128xi32, #tpu.memory_space<vmem>> -> memref<4x2x128xi32, #tpu.memory_space<vmem>>
        %dma_start3A_746 = arith.constant 0 : i32
        %dma_start3A_747 = arith.constant 0 : i32
        %dma_start3A_748 = tpu.memref_slice %arg2[%select_n3A_712, %mul3A_730, %dma_start3A_746, %dma_start3A_747] : memref<200x32x2x128xi32, #tpu.memory_space<hbm>> -> memref<1x4x2x128xi32, #tpu.memory_space<hbm>>
        %dma_start3A_749 = tpu.memref_squeeze %dma_start3A_748 : memref<1x4x2x128xi32, #tpu.memory_space<hbm>> -> memref<4x2x128xi32, #tpu.memory_space<hbm>>
        tpu.enqueue_dma source(%dma_start3A_749 : memref<4x2x128xi32, #tpu.memory_space<hbm>>) target(%dma_start3A_745 : memref<4x2x128xi32, #tpu.memory_space<vmem>>) target_semaphore(%arg15 : memref<!tpu.dma_semaphore, #tpu.memory_space<semaphore_mem>>)
      } else {
      }
      %mul3A_421 = arith.constant 128 : i32
      %mul3A_422 = arith.muli %mul3A_240, %mul3A_421 : i32
      %dma_start3A_423 = arith.constant 0 : i32
      %dma_start3A_424 = arith.constant 0 : i32
      %dma_start3A_425 = arith.constant 0 : i32
      %dma_start3A_426 = tpu.memref_slice %arg6[%dma_start3A_423, %dma_start3A_424, %dma_start3A_425] : memref<2x512x32xf32, #tpu.memory_space<vmem>> -> memref<1x512x32xf32, #tpu.memory_space<vmem>>
      %dma_start3A_427 = tpu.memref_squeeze %dma_start3A_426 : memref<1x512x32xf32, #tpu.memory_space<vmem>> -> memref<512x32xf32, #tpu.memory_space<vmem>>
      %dma_start3A_428 = arith.constant 0 : i32
      %dma_start3A_429 = tpu.memref_slice %arg4[%select_n3A_222, %mul3A_422, %dma_start3A_428] : memref<200x4096x32xf32, #tpu.memory_space<hbm>> -> memref<1x512x32xf32, #tpu.memory_space<hbm>>
      %dma_start3A_430 = tpu.memref_squeeze %dma_start3A_429 : memref<1x512x32xf32, #tpu.memory_space<hbm>> -> memref<512x32xf32, #tpu.memory_space<hbm>>
      %dma_start3A_431 = arith.constant 0 : i32
      %dma_start3A_432 = tpu.memref_slice %arg4[%select_n3A_222, %mul3A_422, %dma_start3A_431] : memref<200x4096x32xf32, #tpu.memory_space<hbm>> -> memref<1x512x32xf32, #tpu.memory_space<hbm>>
      %dma_start3A_433 = tpu.memref_squeeze %dma_start3A_432 : memref<1x512x32xf32, #tpu.memory_space<hbm>> -> memref<512x32xf32, #tpu.memory_space<hbm>>
      %dma_start3A_434 = arith.constant 0 : i32
      %dma_start3A_435 = arith.constant 0 : i32
      %dma_start3A_436 = tpu.memref_slice %arg6[%dma_start3A_423, %dma_start3A_434, %dma_start3A_435] : memref<2x512x32xf32, #tpu.memory_space<vmem>> -> memref<1x512x32xf32, #tpu.memory_space<vmem>>
      %dma_start3A_437 = tpu.memref_squeeze %dma_start3A_436 : memref<1x512x32xf32, #tpu.memory_space<vmem>> -> memref<512x32xf32, #tpu.memory_space<vmem>>
      tpu.enqueue_dma source(%dma_start3A_437 : memref<512x32xf32, #tpu.memory_space<vmem>>) target(%dma_start3A_433 : memref<512x32xf32, #tpu.memory_space<hbm>>) target_semaphore(%arg17 : memref<!tpu.dma_semaphore, #tpu.memory_space<semaphore_mem>>)
      %mul3A_438 = arith.constant 2 : i32
      %mul3A_439 = arith.muli %mul3A_438, %scan3A_193 : i32
      %add3A_440 = arith.constant 1 : i32
      %add3A_441 = arith.addi %mul3A_439, %add3A_440 : i32
      %mul3A_442 = arith.constant 50 : i32
      %mul3A_443 = arith.muli %add3A, %mul3A_442 : i32
      %add3A_444 = arith.addi %mul3A_443, %add3A_441 : i32
      %jit3A_445 = arith.constant 8 : i32
      %div3A_446 = arith.divsi %add3A_444, %jit3A_445 : i32
      %sign3A_447 = arith.constant 0 : i32
      %sign3A_448 = arith.cmpi sgt, %add3A_444, %sign3A_447 : i32
      %sign3A_449 = arith.extui %sign3A_448 : i1 to i32
      %sign3A_450 = arith.constant 0 : i32
      %sign3A_451 = arith.cmpi slt, %add3A_444, %sign3A_450 : i32
      %sign3A_452 = arith.extui %sign3A_451 : i1 to i32
      %sign3A_453 = arith.subi %sign3A_449, %sign3A_452 : i32
      %sign3A_454 = arith.constant 0 : i32
      %sign3A_455 = arith.cmpi sgt, %jit3A_445, %sign3A_454 : i32
      %sign3A_456 = arith.extui %sign3A_455 : i1 to i32
      %sign3A_457 = arith.constant 0 : i32
      %sign3A_458 = arith.cmpi slt, %jit3A_445, %sign3A_457 : i32
      %sign3A_459 = arith.extui %sign3A_458 : i1 to i32
      %sign3A_460 = arith.subi %sign3A_456, %sign3A_459 : i32
      %ne3A_461 = arith.cmpi ne, %sign3A_453, %sign3A_460 : i32
      %rem3A_462 = arith.remsi %add3A_444, %jit3A_445 : i32
      %ne3A_463 = arith.constant 0 : i32
      %ne3A_464 = arith.cmpi ne, %rem3A_462, %ne3A_463 : i32
      %and3A_465 = arith.andi %ne3A_461, %ne3A_464 : i1
      %sub3A_466 = arith.constant 1 : i32
      %sub3A_467 = arith.subi %div3A_446, %sub3A_466 : i32
      %select_n3A_468 = arith.select %and3A_465, %sub3A_467, %div3A_446 : i32
      %jit3A_469 = arith.constant 8 : i32
      %eq3A_470 = arith.constant 0 : i32
      %eq3A_471 = arith.cmpi eq, %jit3A_469, %eq3A_470 : i32
      %jit3A_472 = arith.constant 1 : i32
      %select_n3A_473 = arith.select %eq3A_471, %jit3A_472, %jit3A_469 : i32
      %rem3A_474 = arith.remsi %add3A_444, %select_n3A_473 : i32
      %ne3A_475 = arith.constant 0 : i32
      %ne3A_476 = arith.cmpi ne, %rem3A_474, %ne3A_475 : i32
      %lt3A_477 = arith.constant 0 : i32
      %lt3A_478 = arith.cmpi slt, %rem3A_474, %lt3A_477 : i32
      %lt3A_479 = arith.constant 0 : i32
      %lt3A_480 = arith.cmpi slt, %select_n3A_473, %lt3A_479 : i32
      %ne3A_481 = arith.xori %lt3A_478, %lt3A_480 : i1
      %and3A_482 = arith.andi %ne3A_481, %ne3A_476 : i1
      %add3A_483 = arith.addi %rem3A_474, %select_n3A_473 : i32
      %select_n3A_484 = arith.select %and3A_482, %add3A_483, %rem3A_474 : i32
      %mul3A_485 = arith.constant 4 : i32
      %mul3A_486 = arith.muli %select_n3A_484, %mul3A_485 : i32
      %lt3A_487 = arith.constant 49 : i32
      %lt3A_488 = arith.cmpi slt, %add3A_441, %lt3A_487 : i32
      %convert_element_type3A_489 = arith.extui %lt3A_488 : i1 to i32
      %cond3A_490 = arith.constant 0 : i32
      %cond3A_491 = arith.cmpi ne, %convert_element_type3A_489, %cond3A_490 : i32
      scf.if %cond3A_491 {
        %dma_wait3A_687 = arith.constant 0 : i32
        %dma_wait3A_688 = arith.constant 0 : i32
        %dma_wait3A_689 = arith.constant 0 : i32
        %dma_wait3A_690 = arith.constant 0 : i32
        %dma_wait3A_691 = arith.constant 0 : i32
        %dma_wait3A_692 = tpu.memref_slice %arg5[%dma_wait3A_688, %dma_wait3A_689, %dma_wait3A_690, %dma_wait3A_691] : memref<2x4x2x128xi32, #tpu.memory_space<vmem>> -> memref<1x4x2x128xi32, #tpu.memory_space<vmem>>
        %dma_wait3A_693 = tpu.memref_squeeze %dma_wait3A_692 : memref<1x4x2x128xi32, #tpu.memory_space<vmem>> -> memref<4x2x128xi32, #tpu.memory_space<vmem>>
        %dma_wait3A_694 = arith.constant 0 : i32
        %dma_wait3A_695 = arith.constant 0 : i32
        %dma_wait3A_696 = arith.constant 0 : i32
        %dma_wait3A_697 = tpu.memref_slice %arg2[%dma_wait3A_687, %dma_wait3A_694, %dma_wait3A_695, %dma_wait3A_696] : memref<200x32x2x128xi32, #tpu.memory_space<hbm>> -> memref<1x4x2x128xi32, #tpu.memory_space<hbm>>
        %dma_wait3A_698 = tpu.memref_squeeze %dma_wait3A_697 : memref<1x4x2x128xi32, #tpu.memory_space<hbm>> -> memref<4x2x128xi32, #tpu.memory_space<hbm>>
        %dma_wait3A_699 = arith.constant 0 : i32
        %dma_wait3A_700 = arith.constant 0 : i32
        %dma_wait3A_701 = arith.constant 0 : i32
        %dma_wait3A_702 = tpu.memref_slice %arg5[%dma_wait3A_688, %dma_wait3A_699, %dma_wait3A_700, %dma_wait3A_701] : memref<2x4x2x128xi32, #tpu.memory_space<vmem>> -> memref<1x4x2x128xi32, #tpu.memory_space<vmem>>
        %dma_wait3A_703 = tpu.memref_squeeze %dma_wait3A_702 : memref<1x4x2x128xi32, #tpu.memory_space<vmem>> -> memref<4x2x128xi32, #tpu.memory_space<vmem>>
        %dma_wait3A_704 = arith.constant 0 : i32
        %dma_wait3A_705 = arith.constant 0 : i32
        %dma_wait3A_706 = arith.constant 0 : i32
        %dma_wait3A_707 = tpu.memref_slice %arg2[%dma_wait3A_687, %dma_wait3A_704, %dma_wait3A_705, %dma_wait3A_706] : memref<200x32x2x128xi32, #tpu.memory_space<hbm>> -> memref<1x4x2x128xi32, #tpu.memory_space<hbm>>
        %dma_wait3A_708 = tpu.memref_squeeze %dma_wait3A_707 : memref<1x4x2x128xi32, #tpu.memory_space<hbm>> -> memref<4x2x128xi32, #tpu.memory_space<hbm>>
        tpu.wait_dma2 semaphore(%arg15 : memref<!tpu.dma_semaphore, #tpu.memory_space<semaphore_mem>>) src(%dma_wait3A_708 : memref<4x2x128xi32, #tpu.memory_space<hbm>>) dst(%dma_wait3A_703 : memref<4x2x128xi32, #tpu.memory_space<vmem>>)
        %dma_start3A_709 = arith.constant 0 : i32
        %dma_start3A_710 = arith.constant 0 : i32
        %dma_start3A_711 = arith.constant 0 : i32
        %dma_start3A_712 = arith.constant 0 : i32
        %dma_start3A_713 = arith.constant 0 : i32
        %dma_start3A_714 = arith.constant 0 : i32
        %dma_start3A_715 = tpu.memref_slice %arg6[%dma_start3A_712, %dma_start3A_713, %dma_start3A_714] : memref<2x512x32xf32, #tpu.memory_space<vmem>> -> memref<1x128x32xf32, #tpu.memory_space<vmem>>
        %dma_start3A_716 = tpu.memref_squeeze %dma_start3A_715 : memref<1x128x32xf32, #tpu.memory_space<vmem>> -> memref<128x32xf32, #tpu.memory_space<vmem>>
        %dma_start3A_717 = arith.constant 0 : i32
        %dma_start3A_718 = tpu.memref_slice %arg5[%dma_start3A_709, %dma_start3A_710, %dma_start3A_711, %dma_start3A_717] : memref<2x4x2x128xi32, #tpu.memory_space<vmem>> -> memref<1x1x1x128xi32, #tpu.memory_space<vmem>>
        %dma_start3A_719 = tpu.memref_squeeze %dma_start3A_718 : memref<1x1x1x128xi32, #tpu.memory_space<vmem>> -> memref<128xi32, #tpu.memory_space<vmem>>
        %dma_start3A_720 = arith.constant 0 : i32
        %dma_start3A_721 = arith.constant 0 : i32
        %dma_start3A_722 = tpu.memref_slice %arg3[%dma_start3A_720, %dma_start3A_721] : memref<1000001x32xf32, #tpu.memory_space<hbm>> -> memref<1000001x32xf32, #tpu.memory_space<hbm>>
        tpu.enqueue_indirect_dma source(%dma_start3A_722 : memref<1000001x32xf32, #tpu.memory_space<hbm>>) target(%dma_start3A_716 : memref<128x32xf32, #tpu.memory_space<vmem>>) offsets(%dma_start3A_719 : memref<128xi32, #tpu.memory_space<vmem>>) semaphore(%arg7 : memref<!tpu.dma_semaphore, #tpu.memory_space<semaphore_mem>>)
        %dma_start3A_723 = arith.constant 0 : i32
        %dma_start3A_724 = arith.constant 1 : i32
        %dma_start3A_725 = arith.constant 0 : i32
        %dma_start3A_726 = arith.constant 0 : i32
        %dma_start3A_727 = arith.constant 128 : i32
        %dma_start3A_728 = arith.constant 0 : i32
        %dma_start3A_729 = tpu.memref_slice %arg6[%dma_start3A_726, %dma_start3A_727, %dma_start3A_728] : memref<2x512x32xf32, #tpu.memory_space<vmem>> -> memref<1x128x32xf32, #tpu.memory_space<vmem>>
        %dma_start3A_730 = tpu.memref_squeeze %dma_start3A_729 : memref<1x128x32xf32, #tpu.memory_space<vmem>> -> memref<128x32xf32, #tpu.memory_space<vmem>>
        %dma_start3A_731 = arith.constant 0 : i32
        %dma_start3A_732 = tpu.memref_slice %arg5[%dma_start3A_723, %dma_start3A_724, %dma_start3A_725, %dma_start3A_731] : memref<2x4x2x128xi32, #tpu.memory_space<vmem>> -> memref<1x1x1x128xi32, #tpu.memory_space<vmem>>
        %dma_start3A_733 = tpu.memref_squeeze %dma_start3A_732 : memref<1x1x1x128xi32, #tpu.memory_space<vmem>> -> memref<128xi32, #tpu.memory_space<vmem>>
        %dma_start3A_734 = arith.constant 0 : i32
        %dma_start3A_735 = arith.constant 0 : i32
        %dma_start3A_736 = tpu.memref_slice %arg3[%dma_start3A_734, %dma_start3A_735] : memref<1000001x32xf32, #tpu.memory_space<hbm>> -> memref<1000001x32xf32, #tpu.memory_space<hbm>>
        tpu.enqueue_indirect_dma source(%dma_start3A_736 : memref<1000001x32xf32, #tpu.memory_space<hbm>>) target(%dma_start3A_730 : memref<128x32xf32, #tpu.memory_space<vmem>>) offsets(%dma_start3A_733 : memref<128xi32, #tpu.memory_space<vmem>>) semaphore(%arg8 : memref<!tpu.dma_semaphore, #tpu.memory_space<semaphore_mem>>)
        %dma_start3A_737 = arith.constant 0 : i32
        %dma_start3A_738 = arith.constant 2 : i32
        %dma_start3A_739 = arith.constant 0 : i32
        %dma_start3A_740 = arith.constant 0 : i32
        %dma_start3A_741 = arith.constant 256 : i32
        %dma_start3A_742 = arith.constant 0 : i32
        %dma_start3A_743 = tpu.memref_slice %arg6[%dma_start3A_740, %dma_start3A_741, %dma_start3A_742] : memref<2x512x32xf32, #tpu.memory_space<vmem>> -> memref<1x128x32xf32, #tpu.memory_space<vmem>>
        %dma_start3A_744 = tpu.memref_squeeze %dma_start3A_743 : memref<1x128x32xf32, #tpu.memory_space<vmem>> -> memref<128x32xf32, #tpu.memory_space<vmem>>
        %dma_start3A_745 = arith.constant 0 : i32
        %dma_start3A_746 = tpu.memref_slice %arg5[%dma_start3A_737, %dma_start3A_738, %dma_start3A_739, %dma_start3A_745] : memref<2x4x2x128xi32, #tpu.memory_space<vmem>> -> memref<1x1x1x128xi32, #tpu.memory_space<vmem>>
        %dma_start3A_747 = tpu.memref_squeeze %dma_start3A_746 : memref<1x1x1x128xi32, #tpu.memory_space<vmem>> -> memref<128xi32, #tpu.memory_space<vmem>>
        %dma_start3A_748 = arith.constant 0 : i32
        %dma_start3A_749 = arith.constant 0 : i32
        %dma_start3A_750 = tpu.memref_slice %arg3[%dma_start3A_748, %dma_start3A_749] : memref<1000001x32xf32, #tpu.memory_space<hbm>> -> memref<1000001x32xf32, #tpu.memory_space<hbm>>
        tpu.enqueue_indirect_dma source(%dma_start3A_750 : memref<1000001x32xf32, #tpu.memory_space<hbm>>) target(%dma_start3A_744 : memref<128x32xf32, #tpu.memory_space<vmem>>) offsets(%dma_start3A_747 : memref<128xi32, #tpu.memory_space<vmem>>) semaphore(%arg9 : memref<!tpu.dma_semaphore, #tpu.memory_space<semaphore_mem>>)
        %dma_start3A_751 = arith.constant 0 : i32
        %dma_start3A_752 = arith.constant 3 : i32
        %dma_start3A_753 = arith.constant 0 : i32
        %dma_start3A_754 = arith.constant 0 : i32
        %dma_start3A_755 = arith.constant 384 : i32
        %dma_start3A_756 = arith.constant 0 : i32
        %dma_start3A_757 = tpu.memref_slice %arg6[%dma_start3A_754, %dma_start3A_755, %dma_start3A_756] : memref<2x512x32xf32, #tpu.memory_space<vmem>> -> memref<1x128x32xf32, #tpu.memory_space<vmem>>
        %dma_start3A_758 = tpu.memref_squeeze %dma_start3A_757 : memref<1x128x32xf32, #tpu.memory_space<vmem>> -> memref<128x32xf32, #tpu.memory_space<vmem>>
        %dma_start3A_759 = arith.constant 0 : i32
        %dma_start3A_760 = tpu.memref_slice %arg5[%dma_start3A_751, %dma_start3A_752, %dma_start3A_753, %dma_start3A_759] : memref<2x4x2x128xi32, #tpu.memory_space<vmem>> -> memref<1x1x1x128xi32, #tpu.memory_space<vmem>>
        %dma_start3A_761 = tpu.memref_squeeze %dma_start3A_760 : memref<1x1x1x128xi32, #tpu.memory_space<vmem>> -> memref<128xi32, #tpu.memory_space<vmem>>
        %dma_start3A_762 = arith.constant 0 : i32
        %dma_start3A_763 = arith.constant 0 : i32
        %dma_start3A_764 = tpu.memref_slice %arg3[%dma_start3A_762, %dma_start3A_763] : memref<1000001x32xf32, #tpu.memory_space<hbm>> -> memref<1000001x32xf32, #tpu.memory_space<hbm>>
        tpu.enqueue_indirect_dma source(%dma_start3A_764 : memref<1000001x32xf32, #tpu.memory_space<hbm>>) target(%dma_start3A_758 : memref<128x32xf32, #tpu.memory_space<vmem>>) offsets(%dma_start3A_761 : memref<128xi32, #tpu.memory_space<vmem>>) semaphore(%arg10 : memref<!tpu.dma_semaphore, #tpu.memory_space<semaphore_mem>>)
      } else {
      }
      %dma_wait3A_492 = arith.constant 1 : i32
      %dma_wait3A_493 = arith.constant 0 : i32
      %dma_wait3A_494 = arith.constant 0 : i32
      %dma_wait3A_495 = arith.constant 1 : i32
      %dma_wait3A_496 = arith.constant 0 : i32
      %dma_wait3A_497 = arith.constant 0 : i32
      %dma_wait3A_498 = tpu.memref_slice %arg6[%dma_wait3A_495, %dma_wait3A_496, %dma_wait3A_497] : memref<2x512x32xf32, #tpu.memory_space<vmem>> -> memref<1x128x32xf32, #tpu.memory_space<vmem>>
      %dma_wait3A_499 = tpu.memref_squeeze %dma_wait3A_498 : memref<1x128x32xf32, #tpu.memory_space<vmem>> -> memref<128x32xf32, #tpu.memory_space<vmem>>
      %dma_wait3A_500 = arith.constant 0 : i32
      %dma_wait3A_501 = tpu.memref_slice %arg5[%dma_wait3A_492, %dma_wait3A_493, %dma_wait3A_494, %dma_wait3A_500] : memref<2x4x2x128xi32, #tpu.memory_space<vmem>> -> memref<1x1x1x128xi32, #tpu.memory_space<vmem>>
      %dma_wait3A_502 = tpu.memref_squeeze %dma_wait3A_501 : memref<1x1x1x128xi32, #tpu.memory_space<vmem>> -> memref<128xi32, #tpu.memory_space<vmem>>
      %dma_wait3A_503 = arith.constant 0 : i32
      %dma_wait3A_504 = arith.constant 0 : i32
      %dma_wait3A_505 = tpu.memref_slice %arg3[%dma_wait3A_503, %dma_wait3A_504] : memref<1000001x32xf32, #tpu.memory_space<hbm>> -> memref<1000001x32xf32, #tpu.memory_space<hbm>>
      tpu.wait_indirect_dma semaphore(%arg11 : memref<!tpu.dma_semaphore, #tpu.memory_space<semaphore_mem>>) src(%dma_wait3A_505 : memref<1000001x32xf32, #tpu.memory_space<hbm>>) dst(%dma_wait3A_499 : memref<128x32xf32, #tpu.memory_space<vmem>>)
      %dma_start3A_506 = arith.constant 1 : i32
      %dma_start3A_507 = arith.constant 0 : i32
      %dma_start3A_508 = arith.constant 1 : i32
      %dma_start3A_509 = arith.constant 1 : i32
      %dma_start3A_510 = arith.constant 0 : i32
      %dma_start3A_511 = arith.constant 0 : i32
      %dma_start3A_512 = tpu.memref_slice %arg6[%dma_start3A_509, %dma_start3A_510, %dma_start3A_511] : memref<2x512x32xf32, #tpu.memory_space<vmem>> -> memref<1x128x32xf32, #tpu.memory_space<vmem>>
      %dma_start3A_513 = tpu.memref_squeeze %dma_start3A_512 : memref<1x128x32xf32, #tpu.memory_space<vmem>> -> memref<128x32xf32, #tpu.memory_space<vmem>>
      %dma_start3A_514 = arith.constant 0 : i32
      %dma_start3A_515 = tpu.memref_slice %arg5[%dma_start3A_506, %dma_start3A_507, %dma_start3A_508, %dma_start3A_514] : memref<2x4x2x128xi32, #tpu.memory_space<vmem>> -> memref<1x1x1x128xi32, #tpu.memory_space<vmem>>
      %dma_start3A_516 = tpu.memref_squeeze %dma_start3A_515 : memref<1x1x1x128xi32, #tpu.memory_space<vmem>> -> memref<128xi32, #tpu.memory_space<vmem>>
      %dma_start3A_517 = arith.constant 0 : i32
      %dma_start3A_518 = arith.constant 0 : i32
      %dma_start3A_519 = tpu.memref_slice %arg3[%dma_start3A_517, %dma_start3A_518] : memref<1000001x32xf32, #tpu.memory_space<hbm>> -> memref<1000001x32xf32, #tpu.memory_space<hbm>>
      tpu.enqueue_indirect_dma source(%dma_start3A_519 : memref<1000001x32xf32, #tpu.memory_space<hbm>>) target(%dma_start3A_513 : memref<128x32xf32, #tpu.memory_space<vmem>>) offsets(%dma_start3A_516 : memref<128xi32, #tpu.memory_space<vmem>>) semaphore(%arg11 : memref<!tpu.dma_semaphore, #tpu.memory_space<semaphore_mem>>) {add = true}
      %dma_wait3A_520 = arith.constant 1 : i32
      %dma_wait3A_521 = arith.constant 1 : i32
      %dma_wait3A_522 = arith.constant 0 : i32
      %dma_wait3A_523 = arith.constant 1 : i32
      %dma_wait3A_524 = arith.constant 128 : i32
      %dma_wait3A_525 = arith.constant 0 : i32
      %dma_wait3A_526 = tpu.memref_slice %arg6[%dma_wait3A_523, %dma_wait3A_524, %dma_wait3A_525] : memref<2x512x32xf32, #tpu.memory_space<vmem>> -> memref<1x128x32xf32, #tpu.memory_space<vmem>>
      %dma_wait3A_527 = tpu.memref_squeeze %dma_wait3A_526 : memref<1x128x32xf32, #tpu.memory_space<vmem>> -> memref<128x32xf32, #tpu.memory_space<vmem>>
      %dma_wait3A_528 = arith.constant 0 : i32
      %dma_wait3A_529 = tpu.memref_slice %arg5[%dma_wait3A_520, %dma_wait3A_521, %dma_wait3A_522, %dma_wait3A_528] : memref<2x4x2x128xi32, #tpu.memory_space<vmem>> -> memref<1x1x1x128xi32, #tpu.memory_space<vmem>>
      %dma_wait3A_530 = tpu.memref_squeeze %dma_wait3A_529 : memref<1x1x1x128xi32, #tpu.memory_space<vmem>> -> memref<128xi32, #tpu.memory_space<vmem>>
      %dma_wait3A_531 = arith.constant 0 : i32
      %dma_wait3A_532 = arith.constant 0 : i32
      %dma_wait3A_533 = tpu.memref_slice %arg3[%dma_wait3A_531, %dma_wait3A_532] : memref<1000001x32xf32, #tpu.memory_space<hbm>> -> memref<1000001x32xf32, #tpu.memory_space<hbm>>
      tpu.wait_indirect_dma semaphore(%arg12 : memref<!tpu.dma_semaphore, #tpu.memory_space<semaphore_mem>>) src(%dma_wait3A_533 : memref<1000001x32xf32, #tpu.memory_space<hbm>>) dst(%dma_wait3A_527 : memref<128x32xf32, #tpu.memory_space<vmem>>)
      %dma_start3A_534 = arith.constant 1 : i32
      %dma_start3A_535 = arith.constant 1 : i32
      %dma_start3A_536 = arith.constant 1 : i32
      %dma_start3A_537 = arith.constant 1 : i32
      %dma_start3A_538 = arith.constant 128 : i32
      %dma_start3A_539 = arith.constant 0 : i32
      %dma_start3A_540 = tpu.memref_slice %arg6[%dma_start3A_537, %dma_start3A_538, %dma_start3A_539] : memref<2x512x32xf32, #tpu.memory_space<vmem>> -> memref<1x128x32xf32, #tpu.memory_space<vmem>>
      %dma_start3A_541 = tpu.memref_squeeze %dma_start3A_540 : memref<1x128x32xf32, #tpu.memory_space<vmem>> -> memref<128x32xf32, #tpu.memory_space<vmem>>
      %dma_start3A_542 = arith.constant 0 : i32
      %dma_start3A_543 = tpu.memref_slice %arg5[%dma_start3A_534, %dma_start3A_535, %dma_start3A_536, %dma_start3A_542] : memref<2x4x2x128xi32, #tpu.memory_space<vmem>> -> memref<1x1x1x128xi32, #tpu.memory_space<vmem>>
      %dma_start3A_544 = tpu.memref_squeeze %dma_start3A_543 : memref<1x1x1x128xi32, #tpu.memory_space<vmem>> -> memref<128xi32, #tpu.memory_space<vmem>>
      %dma_start3A_545 = arith.constant 0 : i32
      %dma_start3A_546 = arith.constant 0 : i32
      %dma_start3A_547 = tpu.memref_slice %arg3[%dma_start3A_545, %dma_start3A_546] : memref<1000001x32xf32, #tpu.memory_space<hbm>> -> memref<1000001x32xf32, #tpu.memory_space<hbm>>
      tpu.enqueue_indirect_dma source(%dma_start3A_547 : memref<1000001x32xf32, #tpu.memory_space<hbm>>) target(%dma_start3A_541 : memref<128x32xf32, #tpu.memory_space<vmem>>) offsets(%dma_start3A_544 : memref<128xi32, #tpu.memory_space<vmem>>) semaphore(%arg12 : memref<!tpu.dma_semaphore, #tpu.memory_space<semaphore_mem>>) {add = true}
      %dma_wait3A_548 = arith.constant 1 : i32
      %dma_wait3A_549 = arith.constant 2 : i32
      %dma_wait3A_550 = arith.constant 0 : i32
      %dma_wait3A_551 = arith.constant 1 : i32
      %dma_wait3A_552 = arith.constant 256 : i32
      %dma_wait3A_553 = arith.constant 0 : i32
      %dma_wait3A_554 = tpu.memref_slice %arg6[%dma_wait3A_551, %dma_wait3A_552, %dma_wait3A_553] : memref<2x512x32xf32, #tpu.memory_space<vmem>> -> memref<1x128x32xf32, #tpu.memory_space<vmem>>
      %dma_wait3A_555 = tpu.memref_squeeze %dma_wait3A_554 : memref<1x128x32xf32, #tpu.memory_space<vmem>> -> memref<128x32xf32, #tpu.memory_space<vmem>>
      %dma_wait3A_556 = arith.constant 0 : i32
      %dma_wait3A_557 = tpu.memref_slice %arg5[%dma_wait3A_548, %dma_wait3A_549, %dma_wait3A_550, %dma_wait3A_556] : memref<2x4x2x128xi32, #tpu.memory_space<vmem>> -> memref<1x1x1x128xi32, #tpu.memory_space<vmem>>
      %dma_wait3A_558 = tpu.memref_squeeze %dma_wait3A_557 : memref<1x1x1x128xi32, #tpu.memory_space<vmem>> -> memref<128xi32, #tpu.memory_space<vmem>>
      %dma_wait3A_559 = arith.constant 0 : i32
      %dma_wait3A_560 = arith.constant 0 : i32
      %dma_wait3A_561 = tpu.memref_slice %arg3[%dma_wait3A_559, %dma_wait3A_560] : memref<1000001x32xf32, #tpu.memory_space<hbm>> -> memref<1000001x32xf32, #tpu.memory_space<hbm>>
      tpu.wait_indirect_dma semaphore(%arg13 : memref<!tpu.dma_semaphore, #tpu.memory_space<semaphore_mem>>) src(%dma_wait3A_561 : memref<1000001x32xf32, #tpu.memory_space<hbm>>) dst(%dma_wait3A_555 : memref<128x32xf32, #tpu.memory_space<vmem>>)
      %dma_start3A_562 = arith.constant 1 : i32
      %dma_start3A_563 = arith.constant 2 : i32
      %dma_start3A_564 = arith.constant 1 : i32
      %dma_start3A_565 = arith.constant 1 : i32
      %dma_start3A_566 = arith.constant 256 : i32
      %dma_start3A_567 = arith.constant 0 : i32
      %dma_start3A_568 = tpu.memref_slice %arg6[%dma_start3A_565, %dma_start3A_566, %dma_start3A_567] : memref<2x512x32xf32, #tpu.memory_space<vmem>> -> memref<1x128x32xf32, #tpu.memory_space<vmem>>
      %dma_start3A_569 = tpu.memref_squeeze %dma_start3A_568 : memref<1x128x32xf32, #tpu.memory_space<vmem>> -> memref<128x32xf32, #tpu.memory_space<vmem>>
      %dma_start3A_570 = arith.constant 0 : i32
      %dma_start3A_571 = tpu.memref_slice %arg5[%dma_start3A_562, %dma_start3A_563, %dma_start3A_564, %dma_start3A_570] : memref<2x4x2x128xi32, #tpu.memory_space<vmem>> -> memref<1x1x1x128xi32, #tpu.memory_space<vmem>>
      %dma_start3A_572 = tpu.memref_squeeze %dma_start3A_571 : memref<1x1x1x128xi32, #tpu.memory_space<vmem>> -> memref<128xi32, #tpu.memory_space<vmem>>
      %dma_start3A_573 = arith.constant 0 : i32
      %dma_start3A_574 = arith.constant 0 : i32
      %dma_start3A_575 = tpu.memref_slice %arg3[%dma_start3A_573, %dma_start3A_574] : memref<1000001x32xf32, #tpu.memory_space<hbm>> -> memref<1000001x32xf32, #tpu.memory_space<hbm>>
      tpu.enqueue_indirect_dma source(%dma_start3A_575 : memref<1000001x32xf32, #tpu.memory_space<hbm>>) target(%dma_start3A_569 : memref<128x32xf32, #tpu.memory_space<vmem>>) offsets(%dma_start3A_572 : memref<128xi32, #tpu.memory_space<vmem>>) semaphore(%arg13 : memref<!tpu.dma_semaphore, #tpu.memory_space<semaphore_mem>>) {add = true}
      %dma_wait3A_576 = arith.constant 1 : i32
      %dma_wait3A_577 = arith.constant 3 : i32
      %dma_wait3A_578 = arith.constant 0 : i32
      %dma_wait3A_579 = arith.constant 1 : i32
      %dma_wait3A_580 = arith.constant 384 : i32
      %dma_wait3A_581 = arith.constant 0 : i32
      %dma_wait3A_582 = tpu.memref_slice %arg6[%dma_wait3A_579, %dma_wait3A_580, %dma_wait3A_581] : memref<2x512x32xf32, #tpu.memory_space<vmem>> -> memref<1x128x32xf32, #tpu.memory_space<vmem>>
      %dma_wait3A_583 = tpu.memref_squeeze %dma_wait3A_582 : memref<1x128x32xf32, #tpu.memory_space<vmem>> -> memref<128x32xf32, #tpu.memory_space<vmem>>
      %dma_wait3A_584 = arith.constant 0 : i32
      %dma_wait3A_585 = tpu.memref_slice %arg5[%dma_wait3A_576, %dma_wait3A_577, %dma_wait3A_578, %dma_wait3A_584] : memref<2x4x2x128xi32, #tpu.memory_space<vmem>> -> memref<1x1x1x128xi32, #tpu.memory_space<vmem>>
      %dma_wait3A_586 = tpu.memref_squeeze %dma_wait3A_585 : memref<1x1x1x128xi32, #tpu.memory_space<vmem>> -> memref<128xi32, #tpu.memory_space<vmem>>
      %dma_wait3A_587 = arith.constant 0 : i32
      %dma_wait3A_588 = arith.constant 0 : i32
      %dma_wait3A_589 = tpu.memref_slice %arg3[%dma_wait3A_587, %dma_wait3A_588] : memref<1000001x32xf32, #tpu.memory_space<hbm>> -> memref<1000001x32xf32, #tpu.memory_space<hbm>>
      tpu.wait_indirect_dma semaphore(%arg14 : memref<!tpu.dma_semaphore, #tpu.memory_space<semaphore_mem>>) src(%dma_wait3A_589 : memref<1000001x32xf32, #tpu.memory_space<hbm>>) dst(%dma_wait3A_583 : memref<128x32xf32, #tpu.memory_space<vmem>>)
      %dma_start3A_590 = arith.constant 1 : i32
      %dma_start3A_591 = arith.constant 3 : i32
      %dma_start3A_592 = arith.constant 1 : i32
      %dma_start3A_593 = arith.constant 1 : i32
      %dma_start3A_594 = arith.constant 384 : i32
      %dma_start3A_595 = arith.constant 0 : i32
      %dma_start3A_596 = tpu.memref_slice %arg6[%dma_start3A_593, %dma_start3A_594, %dma_start3A_595] : memref<2x512x32xf32, #tpu.memory_space<vmem>> -> memref<1x128x32xf32, #tpu.memory_space<vmem>>
      %dma_start3A_597 = tpu.memref_squeeze %dma_start3A_596 : memref<1x128x32xf32, #tpu.memory_space<vmem>> -> memref<128x32xf32, #tpu.memory_space<vmem>>
      %dma_start3A_598 = arith.constant 0 : i32
      %dma_start3A_599 = tpu.memref_slice %arg5[%dma_start3A_590, %dma_start3A_591, %dma_start3A_592, %dma_start3A_598] : memref<2x4x2x128xi32, #tpu.memory_space<vmem>> -> memref<1x1x1x128xi32, #tpu.memory_space<vmem>>
      %dma_start3A_600 = tpu.memref_squeeze %dma_start3A_599 : memref<1x1x1x128xi32, #tpu.memory_space<vmem>> -> memref<128xi32, #tpu.memory_space<vmem>>
      %dma_start3A_601 = arith.constant 0 : i32
      %dma_start3A_602 = arith.constant 0 : i32
      %dma_start3A_603 = tpu.memref_slice %arg3[%dma_start3A_601, %dma_start3A_602] : memref<1000001x32xf32, #tpu.memory_space<hbm>> -> memref<1000001x32xf32, #tpu.memory_space<hbm>>
      tpu.enqueue_indirect_dma source(%dma_start3A_603 : memref<1000001x32xf32, #tpu.memory_space<hbm>>) target(%dma_start3A_597 : memref<128x32xf32, #tpu.memory_space<vmem>>) offsets(%dma_start3A_600 : memref<128xi32, #tpu.memory_space<vmem>>) semaphore(%arg14 : memref<!tpu.dma_semaphore, #tpu.memory_space<semaphore_mem>>) {add = true}
      %ge3A_604 = arith.constant 2 : i32
      %ge3A_605 = arith.cmpi sge, %add3A_441, %ge3A_604 : i32
      %convert_element_type3A_606 = arith.extui %ge3A_605 : i1 to i32
      %cond3A_607 = arith.constant 0 : i32
      %cond3A_608 = arith.cmpi ne, %convert_element_type3A_606, %cond3A_607 : i32
      scf.if %cond3A_608 {
        %dma_wait3A_687 = arith.constant 1 : i32
        %dma_wait3A_688 = arith.constant 0 : i32
        %dma_wait3A_689 = arith.constant 0 : i32
        %dma_wait3A_690 = arith.constant 0 : i32
        %dma_wait3A_691 = tpu.memref_slice %arg6[%dma_wait3A_687, %dma_wait3A_689, %dma_wait3A_690] : memref<2x512x32xf32, #tpu.memory_space<vmem>> -> memref<1x512x32xf32, #tpu.memory_space<vmem>>
        %dma_wait3A_692 = tpu.memref_squeeze %dma_wait3A_691 : memref<1x512x32xf32, #tpu.memory_space<vmem>> -> memref<512x32xf32, #tpu.memory_space<vmem>>
        %dma_wait3A_693 = arith.constant 0 : i32
        %dma_wait3A_694 = arith.constant 0 : i32
        %dma_wait3A_695 = tpu.memref_slice %arg4[%dma_wait3A_688, %dma_wait3A_693, %dma_wait3A_694] : memref<200x4096x32xf32, #tpu.memory_space<hbm>> -> memref<1x512x32xf32, #tpu.memory_space<hbm>>
        %dma_wait3A_696 = tpu.memref_squeeze %dma_wait3A_695 : memref<1x512x32xf32, #tpu.memory_space<hbm>> -> memref<512x32xf32, #tpu.memory_space<hbm>>
        %dma_wait3A_697 = arith.constant 0 : i32
        %dma_wait3A_698 = arith.constant 0 : i32
        %dma_wait3A_699 = tpu.memref_slice %arg4[%dma_wait3A_688, %dma_wait3A_697, %dma_wait3A_698] : memref<200x4096x32xf32, #tpu.memory_space<hbm>> -> memref<1x512x32xf32, #tpu.memory_space<hbm>>
        %dma_wait3A_700 = tpu.memref_squeeze %dma_wait3A_699 : memref<1x512x32xf32, #tpu.memory_space<hbm>> -> memref<512x32xf32, #tpu.memory_space<hbm>>
        %dma_wait3A_701 = arith.constant 0 : i32
        %dma_wait3A_702 = arith.constant 0 : i32
        %dma_wait3A_703 = tpu.memref_slice %arg6[%dma_wait3A_687, %dma_wait3A_701, %dma_wait3A_702] : memref<2x512x32xf32, #tpu.memory_space<vmem>> -> memref<1x512x32xf32, #tpu.memory_space<vmem>>
        %dma_wait3A_704 = tpu.memref_squeeze %dma_wait3A_703 : memref<1x512x32xf32, #tpu.memory_space<vmem>> -> memref<512x32xf32, #tpu.memory_space<vmem>>
        tpu.wait_dma2 semaphore(%arg18 : memref<!tpu.dma_semaphore, #tpu.memory_space<semaphore_mem>>) src(%dma_wait3A_704 : memref<512x32xf32, #tpu.memory_space<vmem>>) dst(%dma_wait3A_700 : memref<512x32xf32, #tpu.memory_space<hbm>>)
      } else {
      }
      %dma_wait3A_609 = arith.constant 1 : i32
      %dma_wait3A_610 = arith.constant 0 : i32
      %dma_wait3A_611 = arith.constant 1 : i32
      %dma_wait3A_612 = arith.constant 1 : i32
      %dma_wait3A_613 = arith.constant 0 : i32
      %dma_wait3A_614 = arith.constant 0 : i32
      %dma_wait3A_615 = tpu.memref_slice %arg6[%dma_wait3A_612, %dma_wait3A_613, %dma_wait3A_614] : memref<2x512x32xf32, #tpu.memory_space<vmem>> -> memref<1x128x32xf32, #tpu.memory_space<vmem>>
      %dma_wait3A_616 = tpu.memref_squeeze %dma_wait3A_615 : memref<1x128x32xf32, #tpu.memory_space<vmem>> -> memref<128x32xf32, #tpu.memory_space<vmem>>
      %dma_wait3A_617 = arith.constant 0 : i32
      %dma_wait3A_618 = tpu.memref_slice %arg5[%dma_wait3A_609, %dma_wait3A_610, %dma_wait3A_611, %dma_wait3A_617] : memref<2x4x2x128xi32, #tpu.memory_space<vmem>> -> memref<1x1x1x128xi32, #tpu.memory_space<vmem>>
      %dma_wait3A_619 = tpu.memref_squeeze %dma_wait3A_618 : memref<1x1x1x128xi32, #tpu.memory_space<vmem>> -> memref<128xi32, #tpu.memory_space<vmem>>
      %dma_wait3A_620 = arith.constant 0 : i32
      %dma_wait3A_621 = arith.constant 0 : i32
      %dma_wait3A_622 = tpu.memref_slice %arg3[%dma_wait3A_620, %dma_wait3A_621] : memref<1000001x32xf32, #tpu.memory_space<hbm>> -> memref<1000001x32xf32, #tpu.memory_space<hbm>>
      tpu.wait_indirect_dma semaphore(%arg11 : memref<!tpu.dma_semaphore, #tpu.memory_space<semaphore_mem>>) src(%dma_wait3A_622 : memref<1000001x32xf32, #tpu.memory_space<hbm>>) dst(%dma_wait3A_616 : memref<128x32xf32, #tpu.memory_space<vmem>>)
      %dma_wait3A_623 = arith.constant 1 : i32
      %dma_wait3A_624 = arith.constant 1 : i32
      %dma_wait3A_625 = arith.constant 1 : i32
      %dma_wait3A_626 = arith.constant 1 : i32
      %dma_wait3A_627 = arith.constant 128 : i32
      %dma_wait3A_628 = arith.constant 0 : i32
      %dma_wait3A_629 = tpu.memref_slice %arg6[%dma_wait3A_626, %dma_wait3A_627, %dma_wait3A_628] : memref<2x512x32xf32, #tpu.memory_space<vmem>> -> memref<1x128x32xf32, #tpu.memory_space<vmem>>
      %dma_wait3A_630 = tpu.memref_squeeze %dma_wait3A_629 : memref<1x128x32xf32, #tpu.memory_space<vmem>> -> memref<128x32xf32, #tpu.memory_space<vmem>>
      %dma_wait3A_631 = arith.constant 0 : i32
      %dma_wait3A_632 = tpu.memref_slice %arg5[%dma_wait3A_623, %dma_wait3A_624, %dma_wait3A_625, %dma_wait3A_631] : memref<2x4x2x128xi32, #tpu.memory_space<vmem>> -> memref<1x1x1x128xi32, #tpu.memory_space<vmem>>
      %dma_wait3A_633 = tpu.memref_squeeze %dma_wait3A_632 : memref<1x1x1x128xi32, #tpu.memory_space<vmem>> -> memref<128xi32, #tpu.memory_space<vmem>>
      %dma_wait3A_634 = arith.constant 0 : i32
      %dma_wait3A_635 = arith.constant 0 : i32
      %dma_wait3A_636 = tpu.memref_slice %arg3[%dma_wait3A_634, %dma_wait3A_635] : memref<1000001x32xf32, #tpu.memory_space<hbm>> -> memref<1000001x32xf32, #tpu.memory_space<hbm>>
      tpu.wait_indirect_dma semaphore(%arg12 : memref<!tpu.dma_semaphore, #tpu.memory_space<semaphore_mem>>) src(%dma_wait3A_636 : memref<1000001x32xf32, #tpu.memory_space<hbm>>) dst(%dma_wait3A_630 : memref<128x32xf32, #tpu.memory_space<vmem>>)
      %dma_wait3A_637 = arith.constant 1 : i32
      %dma_wait3A_638 = arith.constant 2 : i32
      %dma_wait3A_639 = arith.constant 1 : i32
      %dma_wait3A_640 = arith.constant 1 : i32
      %dma_wait3A_641 = arith.constant 256 : i32
      %dma_wait3A_642 = arith.constant 0 : i32
      %dma_wait3A_643 = tpu.memref_slice %arg6[%dma_wait3A_640, %dma_wait3A_641, %dma_wait3A_642] : memref<2x512x32xf32, #tpu.memory_space<vmem>> -> memref<1x128x32xf32, #tpu.memory_space<vmem>>
      %dma_wait3A_644 = tpu.memref_squeeze %dma_wait3A_643 : memref<1x128x32xf32, #tpu.memory_space<vmem>> -> memref<128x32xf32, #tpu.memory_space<vmem>>
      %dma_wait3A_645 = arith.constant 0 : i32
      %dma_wait3A_646 = tpu.memref_slice %arg5[%dma_wait3A_637, %dma_wait3A_638, %dma_wait3A_639, %dma_wait3A_645] : memref<2x4x2x128xi32, #tpu.memory_space<vmem>> -> memref<1x1x1x128xi32, #tpu.memory_space<vmem>>
      %dma_wait3A_647 = tpu.memref_squeeze %dma_wait3A_646 : memref<1x1x1x128xi32, #tpu.memory_space<vmem>> -> memref<128xi32, #tpu.memory_space<vmem>>
      %dma_wait3A_648 = arith.constant 0 : i32
      %dma_wait3A_649 = arith.constant 0 : i32
      %dma_wait3A_650 = tpu.memref_slice %arg3[%dma_wait3A_648, %dma_wait3A_649] : memref<1000001x32xf32, #tpu.memory_space<hbm>> -> memref<1000001x32xf32, #tpu.memory_space<hbm>>
      tpu.wait_indirect_dma semaphore(%arg13 : memref<!tpu.dma_semaphore, #tpu.memory_space<semaphore_mem>>) src(%dma_wait3A_650 : memref<1000001x32xf32, #tpu.memory_space<hbm>>) dst(%dma_wait3A_644 : memref<128x32xf32, #tpu.memory_space<vmem>>)
      %dma_wait3A_651 = arith.constant 1 : i32
      %dma_wait3A_652 = arith.constant 3 : i32
      %dma_wait3A_653 = arith.constant 1 : i32
      %dma_wait3A_654 = arith.constant 1 : i32
      %dma_wait3A_655 = arith.constant 384 : i32
      %dma_wait3A_656 = arith.constant 0 : i32
      %dma_wait3A_657 = tpu.memref_slice %arg6[%dma_wait3A_654, %dma_wait3A_655, %dma_wait3A_656] : memref<2x512x32xf32, #tpu.memory_space<vmem>> -> memref<1x128x32xf32, #tpu.memory_space<vmem>>
      %dma_wait3A_658 = tpu.memref_squeeze %dma_wait3A_657 : memref<1x128x32xf32, #tpu.memory_space<vmem>> -> memref<128x32xf32, #tpu.memory_space<vmem>>
      %dma_wait3A_659 = arith.constant 0 : i32
      %dma_wait3A_660 = tpu.memref_slice %arg5[%dma_wait3A_651, %dma_wait3A_652, %dma_wait3A_653, %dma_wait3A_659] : memref<2x4x2x128xi32, #tpu.memory_space<vmem>> -> memref<1x1x1x128xi32, #tpu.memory_space<vmem>>
      %dma_wait3A_661 = tpu.memref_squeeze %dma_wait3A_660 : memref<1x1x1x128xi32, #tpu.memory_space<vmem>> -> memref<128xi32, #tpu.memory_space<vmem>>
      %dma_wait3A_662 = arith.constant 0 : i32
      %dma_wait3A_663 = arith.constant 0 : i32
      %dma_wait3A_664 = tpu.memref_slice %arg3[%dma_wait3A_662, %dma_wait3A_663] : memref<1000001x32xf32, #tpu.memory_space<hbm>> -> memref<1000001x32xf32, #tpu.memory_space<hbm>>
      tpu.wait_indirect_dma semaphore(%arg14 : memref<!tpu.dma_semaphore, #tpu.memory_space<semaphore_mem>>) src(%dma_wait3A_664 : memref<1000001x32xf32, #tpu.memory_space<hbm>>) dst(%dma_wait3A_658 : memref<128x32xf32, #tpu.memory_space<vmem>>)
      %lt3A_665 = arith.constant 48 : i32
      %lt3A_666 = arith.cmpi slt, %add3A_441, %lt3A_665 : i32
      %convert_element_type3A_667 = arith.extui %lt3A_666 : i1 to i32
      %cond3A_668 = arith.constant 0 : i32
      %cond3A_669 = arith.cmpi ne, %convert_element_type3A_667, %cond3A_668 : i32
      scf.if %cond3A_669 {
        %add3A_687 = arith.constant 2 : i32
        %add3A_688 = arith.addi %add3A_444, %add3A_687 : i32
        %jit3A_689 = arith.constant 8 : i32
        %div3A_690 = arith.divsi %add3A_688, %jit3A_689 : i32
        %sign3A_691 = arith.constant 0 : i32
        %sign3A_692 = arith.cmpi sgt, %add3A_688, %sign3A_691 : i32
        %sign3A_693 = arith.extui %sign3A_692 : i1 to i32
        %sign3A_694 = arith.constant 0 : i32
        %sign3A_695 = arith.cmpi slt, %add3A_688, %sign3A_694 : i32
        %sign3A_696 = arith.extui %sign3A_695 : i1 to i32
        %sign3A_697 = arith.subi %sign3A_693, %sign3A_696 : i32
        %sign3A_698 = arith.constant 0 : i32
        %sign3A_699 = arith.cmpi sgt, %jit3A_689, %sign3A_698 : i32
        %sign3A_700 = arith.extui %sign3A_699 : i1 to i32
        %sign3A_701 = arith.constant 0 : i32
        %sign3A_702 = arith.cmpi slt, %jit3A_689, %sign3A_701 : i32
        %sign3A_703 = arith.extui %sign3A_702 : i1 to i32
        %sign3A_704 = arith.subi %sign3A_700, %sign3A_703 : i32
        %ne3A_705 = arith.cmpi ne, %sign3A_697, %sign3A_704 : i32
        %rem3A_706 = arith.remsi %add3A_688, %jit3A_689 : i32
        %ne3A_707 = arith.constant 0 : i32
        %ne3A_708 = arith.cmpi ne, %rem3A_706, %ne3A_707 : i32
        %and3A_709 = arith.andi %ne3A_705, %ne3A_708 : i1
        %sub3A_710 = arith.constant 1 : i32
        %sub3A_711 = arith.subi %div3A_690, %sub3A_710 : i32
        %select_n3A_712 = arith.select %and3A_709, %sub3A_711, %div3A_690 : i32
        %jit3A_713 = arith.constant 8 : i32
        %eq3A_714 = arith.constant 0 : i32
        %eq3A_715 = arith.cmpi eq, %jit3A_713, %eq3A_714 : i32
        %jit3A_716 = arith.constant 1 : i32
        %select_n3A_717 = arith.select %eq3A_715, %jit3A_716, %jit3A_713 : i32
        %rem3A_718 = arith.remsi %add3A_688, %select_n3A_717 : i32
        %ne3A_719 = arith.constant 0 : i32
        %ne3A_720 = arith.cmpi ne, %rem3A_718, %ne3A_719 : i32
        %lt3A_721 = arith.constant 0 : i32
        %lt3A_722 = arith.cmpi slt, %rem3A_718, %lt3A_721 : i32
        %lt3A_723 = arith.constant 0 : i32
        %lt3A_724 = arith.cmpi slt, %select_n3A_717, %lt3A_723 : i32
        %ne3A_725 = arith.xori %lt3A_722, %lt3A_724 : i1
        %and3A_726 = arith.andi %ne3A_725, %ne3A_720 : i1
        %add3A_727 = arith.addi %rem3A_718, %select_n3A_717 : i32
        %select_n3A_728 = arith.select %and3A_726, %add3A_727, %rem3A_718 : i32
        %mul3A_729 = arith.constant 4 : i32
        %mul3A_730 = arith.muli %select_n3A_728, %mul3A_729 : i32
        %dma_start3A_731 = arith.constant 1 : i32
        %dma_start3A_732 = arith.constant 0 : i32
        %dma_start3A_733 = arith.constant 0 : i32
        %dma_start3A_734 = arith.constant 0 : i32
        %dma_start3A_735 = tpu.memref_slice %arg5[%dma_start3A_731, %dma_start3A_732, %dma_start3A_733, %dma_start3A_734] : memref<2x4x2x128xi32, #tpu.memory_space<vmem>> -> memref<1x4x2x128xi32, #tpu.memory_space<vmem>>
        %dma_start3A_736 = tpu.memref_squeeze %dma_start3A_735 : memref<1x4x2x128xi32, #tpu.memory_space<vmem>> -> memref<4x2x128xi32, #tpu.memory_space<vmem>>
        %dma_start3A_737 = arith.constant 0 : i32
        %dma_start3A_738 = arith.constant 0 : i32
        %dma_start3A_739 = tpu.memref_slice %arg2[%select_n3A_712, %mul3A_730, %dma_start3A_737, %dma_start3A_738] : memref<200x32x2x128xi32, #tpu.memory_space<hbm>> -> memref<1x4x2x128xi32, #tpu.memory_space<hbm>>
        %dma_start3A_740 = tpu.memref_squeeze %dma_start3A_739 : memref<1x4x2x128xi32, #tpu.memory_space<hbm>> -> memref<4x2x128xi32, #tpu.memory_space<hbm>>
        %dma_start3A_741 = arith.constant 0 : i32
        %dma_start3A_742 = arith.constant 0 : i32
        %dma_start3A_743 = arith.constant 0 : i32
        %dma_start3A_744 = tpu.memref_slice %arg5[%dma_start3A_731, %dma_start3A_741, %dma_start3A_742, %dma_start3A_743] : memref<2x4x2x128xi32, #tpu.memory_space<vmem>> -> memref<1x4x2x128xi32, #tpu.memory_space<vmem>>
        %dma_start3A_745 = tpu.memref_squeeze %dma_start3A_744 : memref<1x4x2x128xi32, #tpu.memory_space<vmem>> -> memref<4x2x128xi32, #tpu.memory_space<vmem>>
        %dma_start3A_746 = arith.constant 0 : i32
        %dma_start3A_747 = arith.constant 0 : i32
        %dma_start3A_748 = tpu.memref_slice %arg2[%select_n3A_712, %mul3A_730, %dma_start3A_746, %dma_start3A_747] : memref<200x32x2x128xi32, #tpu.memory_space<hbm>> -> memref<1x4x2x128xi32, #tpu.memory_space<hbm>>
        %dma_start3A_749 = tpu.memref_squeeze %dma_start3A_748 : memref<1x4x2x128xi32, #tpu.memory_space<hbm>> -> memref<4x2x128xi32, #tpu.memory_space<hbm>>
        tpu.enqueue_dma source(%dma_start3A_749 : memref<4x2x128xi32, #tpu.memory_space<hbm>>) target(%dma_start3A_745 : memref<4x2x128xi32, #tpu.memory_space<vmem>>) target_semaphore(%arg16 : memref<!tpu.dma_semaphore, #tpu.memory_space<semaphore_mem>>)
      } else {
      }
      %mul3A_670 = arith.constant 128 : i32
      %mul3A_671 = arith.muli %mul3A_486, %mul3A_670 : i32
      %dma_start3A_672 = arith.constant 1 : i32
      %dma_start3A_673 = arith.constant 0 : i32
      %dma_start3A_674 = arith.constant 0 : i32
      %dma_start3A_675 = tpu.memref_slice %arg6[%dma_start3A_672, %dma_start3A_673, %dma_start3A_674] : memref<2x512x32xf32, #tpu.memory_space<vmem>> -> memref<1x512x32xf32, #tpu.memory_space<vmem>>
      %dma_start3A_676 = tpu.memref_squeeze %dma_start3A_675 : memref<1x512x32xf32, #tpu.memory_space<vmem>> -> memref<512x32xf32, #tpu.memory_space<vmem>>
      %dma_start3A_677 = arith.constant 0 : i32
      %dma_start3A_678 = tpu.memref_slice %arg4[%select_n3A_468, %mul3A_671, %dma_start3A_677] : memref<200x4096x32xf32, #tpu.memory_space<hbm>> -> memref<1x512x32xf32, #tpu.memory_space<hbm>>
      %dma_start3A_679 = tpu.memref_squeeze %dma_start3A_678 : memref<1x512x32xf32, #tpu.memory_space<hbm>> -> memref<512x32xf32, #tpu.memory_space<hbm>>
      %dma_start3A_680 = arith.constant 0 : i32
      %dma_start3A_681 = tpu.memref_slice %arg4[%select_n3A_468, %mul3A_671, %dma_start3A_680] : memref<200x4096x32xf32, #tpu.memory_space<hbm>> -> memref<1x512x32xf32, #tpu.memory_space<hbm>>
      %dma_start3A_682 = tpu.memref_squeeze %dma_start3A_681 : memref<1x512x32xf32, #tpu.memory_space<hbm>> -> memref<512x32xf32, #tpu.memory_space<hbm>>
      %dma_start3A_683 = arith.constant 0 : i32
      %dma_start3A_684 = arith.constant 0 : i32
      %dma_start3A_685 = tpu.memref_slice %arg6[%dma_start3A_672, %dma_start3A_683, %dma_start3A_684] : memref<2x512x32xf32, #tpu.memory_space<vmem>> -> memref<1x512x32xf32, #tpu.memory_space<vmem>>
      %dma_start3A_686 = tpu.memref_squeeze %dma_start3A_685 : memref<1x512x32xf32, #tpu.memory_space<vmem>> -> memref<512x32xf32, #tpu.memory_space<vmem>>
      tpu.enqueue_dma source(%dma_start3A_686 : memref<512x32xf32, #tpu.memory_space<vmem>>) target(%dma_start3A_682 : memref<512x32xf32, #tpu.memory_space<hbm>>) target_semaphore(%arg18 : memref<!tpu.dma_semaphore, #tpu.memory_space<semaphore_mem>>)
    }
    %scan3A_157 = arith.constant 25 : i32
    %dma_wait3A = arith.constant 0 : i32
    %dma_wait3A_158 = arith.constant 0 : i32
    %dma_wait3A_159 = arith.constant 0 : i32
    %dma_wait3A_160 = arith.constant 0 : i32
    %dma_wait3A_161 = tpu.memref_slice %arg6[%dma_wait3A, %dma_wait3A_159, %dma_wait3A_160] : memref<2x512x32xf32, #tpu.memory_space<vmem>> -> memref<1x512x32xf32, #tpu.memory_space<vmem>>
    %dma_wait3A_162 = tpu.memref_squeeze %dma_wait3A_161 : memref<1x512x32xf32, #tpu.memory_space<vmem>> -> memref<512x32xf32, #tpu.memory_space<vmem>>
    %dma_wait3A_163 = arith.constant 0 : i32
    %dma_wait3A_164 = arith.constant 0 : i32
    %dma_wait3A_165 = tpu.memref_slice %arg4[%dma_wait3A_158, %dma_wait3A_163, %dma_wait3A_164] : memref<200x4096x32xf32, #tpu.memory_space<hbm>> -> memref<1x512x32xf32, #tpu.memory_space<hbm>>
    %dma_wait3A_166 = tpu.memref_squeeze %dma_wait3A_165 : memref<1x512x32xf32, #tpu.memory_space<hbm>> -> memref<512x32xf32, #tpu.memory_space<hbm>>
    %dma_wait3A_167 = arith.constant 0 : i32
    %dma_wait3A_168 = arith.constant 0 : i32
    %dma_wait3A_169 = tpu.memref_slice %arg4[%dma_wait3A_158, %dma_wait3A_167, %dma_wait3A_168] : memref<200x4096x32xf32, #tpu.memory_space<hbm>> -> memref<1x512x32xf32, #tpu.memory_space<hbm>>
    %dma_wait3A_170 = tpu.memref_squeeze %dma_wait3A_169 : memref<1x512x32xf32, #tpu.memory_space<hbm>> -> memref<512x32xf32, #tpu.memory_space<hbm>>
    %dma_wait3A_171 = arith.constant 0 : i32
    %dma_wait3A_172 = arith.constant 0 : i32
    %dma_wait3A_173 = tpu.memref_slice %arg6[%dma_wait3A, %dma_wait3A_171, %dma_wait3A_172] : memref<2x512x32xf32, #tpu.memory_space<vmem>> -> memref<1x512x32xf32, #tpu.memory_space<vmem>>
    %dma_wait3A_174 = tpu.memref_squeeze %dma_wait3A_173 : memref<1x512x32xf32, #tpu.memory_space<vmem>> -> memref<512x32xf32, #tpu.memory_space<vmem>>
    tpu.wait_dma2 semaphore(%arg17 : memref<!tpu.dma_semaphore, #tpu.memory_space<semaphore_mem>>) src(%dma_wait3A_174 : memref<512x32xf32, #tpu.memory_space<vmem>>) dst(%dma_wait3A_170 : memref<512x32xf32, #tpu.memory_space<hbm>>)
    %dma_wait3A_175 = arith.constant 1 : i32
    %dma_wait3A_176 = arith.constant 0 : i32
    %dma_wait3A_177 = arith.constant 0 : i32
    %dma_wait3A_178 = arith.constant 0 : i32
    %dma_wait3A_179 = tpu.memref_slice %arg6[%dma_wait3A_175, %dma_wait3A_177, %dma_wait3A_178] : memref<2x512x32xf32, #tpu.memory_space<vmem>> -> memref<1x512x32xf32, #tpu.memory_space<vmem>>
    %dma_wait3A_180 = tpu.memref_squeeze %dma_wait3A_179 : memref<1x512x32xf32, #tpu.memory_space<vmem>> -> memref<512x32xf32, #tpu.memory_space<vmem>>
    %dma_wait3A_181 = arith.constant 0 : i32
    %dma_wait3A_182 = arith.constant 0 : i32
    %dma_wait3A_183 = tpu.memref_slice %arg4[%dma_wait3A_176, %dma_wait3A_181, %dma_wait3A_182] : memref<200x4096x32xf32, #tpu.memory_space<hbm>> -> memref<1x512x32xf32, #tpu.memory_space<hbm>>
    %dma_wait3A_184 = tpu.memref_squeeze %dma_wait3A_183 : memref<1x512x32xf32, #tpu.memory_space<hbm>> -> memref<512x32xf32, #tpu.memory_space<hbm>>
    %dma_wait3A_185 = arith.constant 0 : i32
    %dma_wait3A_186 = arith.constant 0 : i32
    %dma_wait3A_187 = tpu.memref_slice %arg4[%dma_wait3A_176, %dma_wait3A_185, %dma_wait3A_186] : memref<200x4096x32xf32, #tpu.memory_space<hbm>> -> memref<1x512x32xf32, #tpu.memory_space<hbm>>
    %dma_wait3A_188 = tpu.memref_squeeze %dma_wait3A_187 : memref<1x512x32xf32, #tpu.memory_space<hbm>> -> memref<512x32xf32, #tpu.memory_space<hbm>>
    %dma_wait3A_189 = arith.constant 0 : i32
    %dma_wait3A_190 = arith.constant 0 : i32
    %dma_wait3A_191 = tpu.memref_slice %arg6[%dma_wait3A_175, %dma_wait3A_189, %dma_wait3A_190] : memref<2x512x32xf32, #tpu.memory_space<vmem>> -> memref<1x512x32xf32, #tpu.memory_space<vmem>>
    %dma_wait3A_192 = tpu.memref_squeeze %dma_wait3A_191 : memref<1x512x32xf32, #tpu.memory_space<vmem>> -> memref<512x32xf32, #tpu.memory_space<vmem>>
    tpu.wait_dma2 semaphore(%arg18 : memref<!tpu.dma_semaphore, #tpu.memory_space<semaphore_mem>>) src(%dma_wait3A_192 : memref<512x32xf32, #tpu.memory_space<vmem>>) dst(%dma_wait3A_188 : memref<512x32xf32, #tpu.memory_space<hbm>>)
    return
  }
}

</mosaic_0001>

<sc_bundles>
// kernel: kernel.3.cloned.1.call-start
scs
__scs_entry_jumppad:
0x0: {  	(pc) =	sbr.rel $0x88, $3  }
0x1: {  	(tag) =	ssettag $0x0;
	lr =	simm.s32 $0x1  }
0x2: {  	[smem:$0x3F9F] =	sst lr;
	_ =	strace $0xD0000000  }
0x3: {  	_ = 	snop  }
0x4: {  	_ = 	snop  }
0x5: {  	_ = 	snop  }
0x6: {  	_ = 	snop  }
0x7: {  	_ = 	snop  }
__scs_overlays_trampoline_lowered:
0x8: {  	[smem:$0x3FAE] =	sst s0  }
0x9: {  	[smem:$0x3FAF] =	sst s1  }
0xa: {  	[smem:$0x3FB0] =	sst s2  }
0xb: {  	[smem:$0x3FB1] =	sst s3  }
0xc: {  	[smem:$0x3FB2] =	sst s4  }
0xd: {  	[smem:$0x3FB3] =	sst s5  }
0xe: {  	[smem:$0x3FB4] =	sst s6  }
0xf: {  	[smem:$0x3FB5] =	sst s7  }
0x10: {  	[smem:$0x3FB6] =	sst s8  }
0x11: {  	[smem:$0x3FB7] =	sst s9;
	s0 =	simm.s32 @!p0 $0x0  }
0x12: {  	s1 =	sld [smem:$0x3F9D];
	s0 =	simm.s32 @p0 $0x1  }
0x13: {  	[smem:$0x3FB8] =	sst s0;
	s0 =	simm.s32 @!p1 $0x0  }
0x14: {  	s2 =	sld [smem:$0x3F9C];
	s0 =	simm.s32 @p1 $0x1  }
0x15: {  	[smem:$0x3FB9] =	sst s0;
	s0 =	simm.s32 @!p2 $0x0  }
0x16: {  	s3 =	sld [smem:$0x3FDB];
	s0 =	simm.s32 @p2 $0x1  }
0x17: {  	s4 =	simm.s32 $0x1BF5;
	[smem:$0x3FBB] =	sst s0  }
0x18: {  	s0 =	sld [smem:$0x3F9E];
	_ =	swait.ge [sflag:s4], $0x0  }
0x19: {  	s7 =	sld [smem:$0x3F9F]  }
0x1a: {  	s8 =	sadd.s32 $0xFFFFE003, lr  }
0x1b: {  	s9 =	sadd.s32 $0xFFFFFEF7, lr;
	s5 =	simm.s32 $0xFFFFFFFF;
	p2 =	slt.u32 s8, $0xFFFFF086  }
0x1c: {  	p1 =	slt.u32 s9, $0xF7A;
	s5 =	simm.s32 @!p2 $0x0  }
0x1d: {  	s5 =	simm.s32 @p1 $0x1;
	p0 =	seq.s32 s7, s2  }
0x1e: {  	s7 =	smul.u32 @!p0 $0xF7A, s2;
	p2 =	seq.s32 @!p0 s5, $0x0  }
0x1f: {  	s9 =	smul.u32 $0xF7A, s1;
	s8 =	simm.s32 @!p0 $0x1BF5;
	p2 =	por !p2, p0  }
0x20: {  	[sflag:s8] =	ssyncset.s32 @!p0 $0xFFFFF086;
	s6 =	sadd.s32 @!p0 s3, s7;
	s7 =	simm.s32 @!p0 $0x108  }
0x21: {  	s3 =	sadd.s32 s3, s9;
	s6 =	sadd.s32 @!p0 $0x88, s6;
	s7 =	simm.s32 @p2 $0x1082  }
0x22: {  	[simem:s7], [sflag:s8] =	dma.local @!p0 [hbm:s6], $0xF7A  }
0x23: {  	s9 =	sor.u32 $0xD0000000, s2;
	s6 =	simm.s32 $0x108;
	_ =	swait.ge @!p0 [sflag:s8], $0x0  }
0x24: {  	s3 =	sadd.s32 $0x88, s3;
	s6 =	simm.s32 @!p1 $0x1082;
	[sflag:s4] =	ssyncset.s32 $0xFFFFF086  }
0x25: {  	[simem:s6], [sflag:s4] =	dma.local [hbm:s3], $0xF7A  }
0x26: {  	[smem:$0x3F9F] =	sst s1;
	(tag) =	ssettag s2;
	_ =	strace s9  }
0x27: {  	s1 =	sld [smem:$0x3FAF]  }
0x28: {  	s2 =	sld [smem:$0x3FB0]  }
0x29: {  	s4 =	sld [smem:$0x3FB2]  }
0x2a: {  	p0 =	seq.s32 s5, $0x0;
	s5 =	sld [smem:$0x3FB3]  }
0x2b: {  	s6 =	sld [smem:$0x3FB4]  }
0x2c: {  	s7 =	sld [smem:$0x3FB5]  }
0x2d: {  	s3 =	simm.s32 $0x108;
	s8 =	sld [smem:$0x3FB6]  }
0x2e: {  	s3 =	simm.s32 @!p0 $0x1082;
	s9 =	sld [smem:$0x3FB7]  }
0x2f: {  	lr =	sadd.s32 s0, s3;
	s0 =	sld [smem:$0x3FAE]  }
0x30: {  	s3 =	sld [smem:$0x3FB1]  }
0x31: {  	[smem:$0x3FBA] =	sst s10  }
0x32: {  	s10 =	sld [smem:$0x3FB8];
	_ =	sdelay $0x3  }
0x33: {  	p0 =	seq.s32 s10, $0x1;
	s10 =	sld [smem:$0x3FBA];
	_ =	sdelay $0x3  }
0x34: {  	[smem:$0x3FBA] =	sst s10  }
0x35: {  	s10 =	sld [smem:$0x3FB9];
	_ =	sdelay $0x3  }
0x36: {  	p1 =	seq.s32 s10, $0x1;
	s10 =	sld [smem:$0x3FBA];
	_ =	sdelay $0x3  }
0x37: {  	[smem:$0x3FBA] =	sst s10  }
0x38: {  	s10 =	sld [smem:$0x3FBB]  }
0x39: {  	_ = 	snop;
	(pc) =	sbr.ind lr, $3  }
0x3a: {  	_ = 	snop  }
0x3b: {  	_ = 	snop  }
0x3c: {  	p2 =	seq.s32 s10, $0x1;
	s10 =	sld [smem:$0x3FBA]  }
0x3d: {  	_ =	shalt  }
0x3e: {  	_ =	shalt  }
0x3f: {  	_ =	shalt  }
0x40: {  	_ =	shalt  }
0x41: {  	_ =	shalt  }
0x42: {  	_ =	shalt  }
0x43: {  	_ =	shalt  }
0x44: {  	_ =	shalt  }
0x45: {  	_ =	shalt  }
0x46: {  	_ =	shalt  }
0x47: {  	_ =	shalt  }
0x48: {  	_ =	shalt  }
0x49: {  	_ =	shalt  }
0x4a: {  	_ =	shalt  }
0x4b: {  	_ =	shalt  }
0x4c: {  	_ =	shalt  }
0x4d: {  	_ =	shalt  }
0x4e: {  	_ =	shalt  }
0x4f: {  	_ =	shalt  }
0x50: {  	_ =	shalt  }
0x51: {  	_ =	shalt  }
0x52: {  	_ =	shalt  }
0x53: {  	_ =	shalt  }
0x54: {  	_ =	shalt  }
0x55: {  	_ =	shalt  }
0x56: {  	_ =	shalt  }
0x57: {  	_ =	shalt  }
0x58: {  	_ =	shalt  }
0x59: {  	_ =	shalt  }
0x5a: {  	_ =	shalt  }
0x5b: {  	_ =	shalt  }
0x5c: {  	_ =	shalt  }
0x5d: {  	_ =	shalt  }
0x5e: {  	_ =	shalt  }
0x5f: {  	_ =	shalt  }
0x60: {  	_ =	shalt  }
0x61: {  	_ =	shalt  }
0x62: {  	_ =	shalt  }
0x63: {  	_ =	shalt  }
0x64: {  	_ =	shalt  }
0x65: {  	_ =	shalt  }
0x66: {  	_ =	shalt  }
0x67: {  	_ =	shalt  }
0x68: {  	_ =	shalt  }
0x69: {  	_ =	shalt  }
0x6a: {  	_ =	shalt  }
0x6b: {  	_ =	shalt  }
0x6c: {  	_ =	shalt  }
0x6d: {  	_ =	shalt  }
0x6e: {  	_ =	shalt  }
0x6f: {  	_ =	shalt  }
0x70: {  	_ =	shalt  }
0x71: {  	_ =	shalt  }
0x72: {  	_ =	shalt  }
0x73: {  	_ =	shalt  }
0x74: {  	_ =	shalt  }
0x75: {  	_ =	shalt  }
0x76: {  	_ =	shalt  }
0x77: {  	_ =	shalt  }
0x78: {  	_ =	shalt  }
0x79: {  	_ =	shalt  }
0x7a: {  	_ =	shalt  }
0x7b: {  	_ =	shalt  }
0x7c: {  	_ =	shalt  }
0x7d: {  	_ =	shalt  }
0x7e: {  	_ =	shalt  }
0x7f: {  	_ =	shalt  }
0x80: {  	_ =	shalt  }
0x81: {  	_ =	shalt  }
0x82: {  	_ =	shalt  }
0x83: {  	_ =	shalt  }
0x84: {  	_ =	shalt  }
0x85: {  	_ =	shalt  }
0x86: {  	_ =	shalt  }
0x87: {  	_ =	shalt  }
.Lfunc_end0:
.L_simem_size_0:
called_computation.1_lowered:
.L_overlay_start_0:
0x88: {  	s2 =	sld [smem:$0x3FD9]  }
0x89: {  	s3 =	sld [smem:$0x3FFE];
	_ =	sdelay $0x1  }
0x8a: {  	s1 =	srdreg.scid  }
0x8b: {  	s0 =	sand.u32 $0x1, s1  }
0x8c: {  	s17 =	sshll.u32 s0, $0xA;
	s2 =	sadd.s32 s3, s2  }
0x8d: {  	s2 =	sadd.s32 s2, s17  }
0x8e: {  	[smem:$0x3FC6] =	sst s2  }
0x8f: {  	_ = 	snop  }
0x90: {  	s2 =	sld [smem:$0x3FC9]  }
0x91: {  	s18 =	sld [smem:$0x3FD0];
	(tm) =	ssettm $0x1  }
0x92: {  	s4 =	sld [smem:$0x3FFB];
	_ =	sdelay $0x3  }
0x93: {  	_ =	strace s4  }
0x94: {  	s4 =	sld [smem:$0x3FFC];
	_ =	sdelay $0x3  }
0x95: {  	_ =	strace s4  }
0x96: {  	s4 =	sld [smem:$0x3FFD];
	_ =	sdelay $0x3  }
0x97: {  	_ =	strace s4  }
0x98: {  	_ =	strace $0x8FFFFFFF  }
0x99: {  	s19 =	sld [smem:$0x3FDB];
	_ =	sdelay $0x1  }
0x9a: {  	s5 =	simm.s32 $_scs_section_size  }
0x9b: {  	s6 =	simm.s32 $_size__tile_overlayer_lowered;
	s7 =	simm.s32 $_tile_overlayer_lowered  }
0x9c: {  	s22 =	simm.s32 $0x1BFF;
	s21 =	sshll.u32 s7, $0x1;
	s4 =	sadd.s32 s5, s19  }
0x9d: {  	s8 =	simm.s32 $0x0;
	s20 =	sshll.u32 s6, $0x1;
	s6 =	sadd.s32 s21, s4  }
0x9e: {  	[timem:s8], [sflag:s22] =	dma.local [hbm:s6], s20  }
0x9f: {  	_ =	swait.ge [sflag:s22], s20  }
0xa0: {  	s5 =	ssub.s32 $0x0, s20;
	[sflag:s22] =	ssyncset.done $0x0  }
0xa1: {  	[sflag:s22] =	ssyncadd.s32 s5;
	_ =	sdelay $0x1  }
0xa2: {  	s23 =	simm.s32 $0x1B8B  }
0xa3: {  	_ =	swait.ge [sflag:s23], $0x1  }
0xa4: {  	[sflag:s23] =	ssyncset.done $0x0  }
0xa5: {  	s25 =	simm.s32 $0x1B8E;
	s24 =	sld [smem:$0x3FFE];
	[sflag:s23] =	ssyncadd.s32 $0xFFFFFFFF  }
0xa6: {  	s26 =	simm.s32 $execute0_lowered;
	[smem:$0x3FD2] =	sst s25  }
0xa7: {  	s6 =	sshll.u32 s26, $0x1;
	_ =	strace $0x80000046;
	[dreg:$0x1] =	wrdreg $0xFFFFFFFF  }
0xa8: {  	s28 =	simm.s32 $_size_execute0_lowered;
	s4 =	sadd.s32 s4, s6;
	[dreg:$0x0] =	wrdreg $0x0  }
0xa9: {  	s6 =	sshll.u32 s28, $0x1;
	[dreg:$0x2] =	wrdreg s4  }
0xaa: {  	[dreg:$0x3] =	wrdreg s6  }
0xab: {  	[dreg:$0x4] =	wrdreg $0xC0  }
0xac: {  	_ =	task [dreg:s8], $0x5FFFF  }
0xad: {  	[dreg:$0x1] =	wrdreg $0xFFFFFFFF  }
0xae: {  	[dreg:$0x0] =	wrdreg $0x60  }
0xaf: {  	[dreg:$0x2] =	wrdreg s2  }
0xb0: {  	[dreg:$0x3] =	wrdreg s24  }
0xb1: {  	[dreg:$0x4] =	wrdreg s18  }
0xb2: {  	[dreg:$0x5] =	wrdreg $0x9  }
0xb3: {  	_ =	task.clear_ibuf [dreg:s8], $0x6FFFF;
	_ =	strace $0x90000046  }
0xb4: {  	s29 =	simm.s32 $0x9;
	_ =	strace $0x80000048  }
0xb5: {  	_ =	swait.ge [sflag:s29], $0x1  }
0xb6: {  	[sflag:s29] =	ssyncadd.s32 $0xFFFFFFFF  }
0xb7: {  	_ =	strace $0x90000048  }
0xb8: {  	_ =	sfence  }
0xb9: {  	s30 =	sld [smem:$0x0];
	_ =	sdelay $0x2  }
0xba: {  	s31 =	sshll.u32 s1, $0xD;
	s1 =	sshrl.u32 s1, $0x2  }
0xbb: {  	s3 =	sand.u32 $0x4000, s31;
	s1 =	sadd.s32 s1, s30  }
0xbc: {  	s0 =	sor.u32 s3, s0;
	s1 =	sshll.u32 s1, $0x11  }
0xbd: {  	s0 =	sor.u32 s1, s0  }
0xbe: {  	s0 =	sadd.s32 $0x8F2B, s0  }
0xbf: {  	[sflag:s0] =	ssyncadd.remote.s32 $0x1  }
0xc0: {  	_ =	sfence.sel $0xFFFF  }
0xc1: {  	[dreg:$0x0] =	wrdreg $0xFFFFFFFF;
	(pc) =	sbr.abs _section_cstart, $3  }
0xc2: {  	[dreg:$0x1] =	wrdreg $0xFFFFFFFF  }
0xc3: {  	_ =	task.clear_ibuf [dreg:s8], $0x2FFFF;
	_ =	strace $0x9FFFFFFF  }
0xc4: {  	(tm) =	ssettm $0x7FFFFFFF  }
0xc5: {  	_ =	shalt  }
tec
execute0_lowered:
.L_overlay_start_1:
0x0: {  	(tag) =	ssettag $0x1  }
0x1: {  	s0 =	rddreg [dreg:$0x0]  }
0x2: {  	s1 =	rddreg [dreg:$0x1];
	s2 =	srdreg.scid  }
0x3: {  	s10 =	stileid.u32;
	s4 =	rddreg [dreg:$0x2];
	s17 =	simm.s32 $0x500  }
0x4: {  	s18 =	simm.s32 $0x600;
	s19 =	simm.s32 $0x700;
	s20 =	simm.s32 $0x180  }
0x5: {  	s21 =	simm.s32 $0x280;
	s22 =	simm.s32 $0x380;
	s28 =	simm.s32 $0x4  }
0x6: {  	s29 =	simm.s32 $0x5;
	s30 =	simm.s32 $0x6;
	s26 =	smul.u32 $0x3200, s10  }
0x7: {  	s31 =	simm.s32 $0x7;
	s5 =	sand.u32 $0x1, s2;
	s9 =	smul.u32 $0x64, s10  }
0x8: {  	s3 =	sshll.u32 s10, $0x1;
	s2 =	simm.s32 $0x0;
	s13 =	smul.u32 $0x32000, s10  }
0x9: {  	s10 =	simm.s32 $0x80;
	s3 =	sor.u32 s5, s3;
	s11 =	smul.u32 $0x32, s5  }
0xa: {  	[smem:$0x7FF] =	sst s2;
	s25 =	ssub.s32 $0x2, s5;
	s12 =	smul.u32 $0x1900, s5  }
0xb: {  	s5 =	smul.u32 $0x19000, s5;
	_ =	strace $0x80000047;
	[dreg:$0x5] =	wrdreg s17  }
0xc: {  	s6 =	smul.u32 $0xC800, s3;
	s7 =	sshll.u32 s3, $0xB;
	[dreg:$0x6] =	wrdreg s18  }
0xd: {  	s3 =	sadd.s32 $0xF42E00, s1;
	s8 =	sshrl.u32 s25, $0x1;
	[dreg:$0x7] =	wrdreg s19  }
0xe: {  	s15 =	sadd.s32 s13, s4;
	s13 =	simm.s32 $0x2800;
	[dreg:$0x8] =	wrdreg s20  }
0xf: {  	s17 =	simm.s32 $0x3800;
	s18 =	simm.s32 $0x400;
	[dreg:$0x9] =	wrdreg s21  }
0x10: {  	s19 =	simm.s32 $0xA;
	s20 =	simm.s32 $0x4800;
	[dreg:$0xa] =	wrdreg s22  }
0x11: {  	s21 =	simm.s32 $0x5800;
	s22 =	simm.s32 $0x6800;
	s24 =	sand.u32 $0x1800, s7  }
0x12: {  	s7 =	ssub.s32 s25, s8;
	s16 =	sadd.s32 s5, s15;
	s25 =	simm.s32 $0x680  }
0x13: {  	s5 =	simm.s32 $0x0;
	s23 =	sand.u32 $0x1FE000, s6;
	[dreg:$0x13] =	wrdreg s16  }
0x14: {  	s7 =	smax.u32 s7, $0x1;
	[dreg:$0xd] =	wrdreg s25;
	s25 =	simm.s32 $0x2  }
0x15: {  	s1 =	sor.u32 s24, s23;
	[dreg:$0x11] =	wrdreg s7;
	s23 =	simm.s32 $0x480  }
0x16: {  	s24 =	simm.s32 $0x580;
	s1 =	sshrl.u32 s1, $0x3;
	[dreg:$0xb] =	wrdreg s23  }
0x17: {  	[dreg:$0xc] =	wrdreg s24;
	s23 =	simm.s32 $0x7800;
	s24 =	simm.s32 $0x1  }
0x18: {  	s1 =	sadd.s32 s0, s1;
	s0 =	sadd.s32 s26, s0;
	s26 =	simm.s32 $0x780  }
0x19: {  	[dreg:$0xf] =	wrdreg s1;
	s8 =	sadd.s32 $0x80, s1;
	s1 =	sadd.s32 s11, s9  }
0x1a: {  	s0 =	sadd.s32 s12, s0;
	[dreg:$0xe] =	wrdreg s26;
	s1 =	sshll.u32 s1, $0xB  }
0x1b: {  	s11 =	simm.s32 $0x800;
	[dreg:$0x10] =	wrdreg s8;
	s14 =	sadd.s32 s1, s4  }
0x1c: {  	s9 =	simm.s32 $0x1800;
	[dreg:$0x4] =	wrdreg s0;
	s0 =	sadd.s32 $0x800, s14  }
0x1d: {  	s26 =	simm.s32 $0x3;
	s1 =	simm.s32 $0x8;
	[dreg:$0x12] =	wrdreg s0  }
.LBB2_1:
0x1e: {  	[dreg:$0x14] =	wrdreg s5  }
0x1f: {  	s0 =	rddreg [dreg:$0xf];
	s7 =	simm.s32 $0xD  }
0x20: {  	[tilespmem:s2], [sflag:$0xD] =	stream.linear.gather [hbm4b:s0+s2], $0x400, $0x38;
	[tilespmem:$0x8800] =	vst v63  }
0x21: {  	_ =	swait.ge [sflag:s7], $0x400  }
0x22: {  	[sflag:s7] =	ssyncset.done $0x0  }
0x23: {  	[sflag:s7] =	ssyncadd.s32 $0xFFFFFC00  }
0x24: {  	[tilespmem:s11], [sflag:$0x1] =	stream.indirect.gather [hbm4b:s3+s10], $0x20, s2, s10, $0xb8;
	[tilespmem:$0x8800] =	vst v63  }
0x25: {  	s8 =	simm.s32 $0x100  }
0x26: {  	[tilespmem:s9], [sflag:$0x2] =	stream.indirect.gather [hbm4b:s3+s10], $0x20, s8, s10, $0xb8;
	[tilespmem:$0x8800] =	vst v63  }
0x27: {  	s12 =	simm.s32 $0x200  }
0x28: {  	[tilespmem:s13], [sflag:$0x3] =	stream.indirect.gather [hbm4b:s3+s10], $0x20, s12, s10, $0xb8;
	[tilespmem:$0x8800] =	vst v63  }
0x29: {  	s14 =	simm.s32 $0x300  }
0x2a: {  	[tilespmem:s17], [sflag:$0x4] =	stream.indirect.gather [hbm4b:s3+s10], $0x20, s14, s10, $0xb8;
	[tilespmem:$0x8800] =	vst v63  }
0x2b: {  	s15 =	rddreg [dreg:$0x10]  }
0x2c: {  	[tilespmem:s18], [sflag:$0xA] =	stream.linear.gather [hbm4b:s15+s2], $0x400, $0x38;
	[tilespmem:$0x8800] =	vst v63  }
0x2d: {  	_ =	swait.ge [sflag:s19], $0x400  }
0x2e: {  	[sflag:s19] =	ssyncset.done $0x0  }
0x2f: {  	[sflag:s19] =	ssyncadd.s32 $0xFFFFFC00  }
0x30: {  	[tilespmem:s20], [sflag:$0x5] =	stream.indirect.gather [hbm4b:s3+s10], $0x20, s18, s10, $0xb8;
	[tilespmem:$0x8800] =	vst v63  }
0x31: {  	s16 =	rddreg [dreg:$0x5]  }
0x32: {  	[tilespmem:s21], [sflag:$0x6] =	stream.indirect.gather [hbm4b:s3+s10], $0x20, s16, s10, $0xb8;
	[tilespmem:$0x8800] =	vst v63  }
0x33: {  	s4 =	rddreg [dreg:$0x6]  }
0x34: {  	[tilespmem:s22], [sflag:$0x7] =	stream.indirect.gather [hbm4b:s3+s10], $0x20, s4, s10, $0xb8;
	[tilespmem:$0x8800] =	vst v63  }
0x35: {  	s5 =	rddreg [dreg:$0x7]  }
0x36: {  	[tilespmem:s23], [sflag:$0x8] =	stream.indirect.gather [hbm4b:s3+s10], $0x20, s5, s10, $0xb8;
	[tilespmem:$0x8800] =	vst v63  }
0x37: {  	_ =	swait.ge [sflag:s24], $0x1000  }
0x38: {  	[sflag:s24] =	ssyncset.done $0x0  }
0x39: {  	[sflag:s24] =	ssyncadd.s32 $0xFFFFF000  }
0x3a: {  	[tilespmem:s11], [sflag:$0x1] =	stream.indirect.gather.add.f32 [hbm:s3], $0x20, s10, s10, $0xb8;
	[tilespmem:$0x8800] =	vst v63  }
0x3b: {  	_ =	swait.ge [sflag:s25], $0x1000  }
0x3c: {  	[sflag:s25] =	ssyncset.done $0x0  }
0x3d: {  	s6 =	rddreg [dreg:$0x8];
	[sflag:s25] =	ssyncadd.s32 $0xFFFFF000  }
0x3e: {  	[tilespmem:s9], [sflag:$0x2] =	stream.indirect.gather.add.f32 [hbm:s3], $0x20, s6, s10, $0xb8;
	[tilespmem:$0x8800] =	vst v63  }
0x3f: {  	_ =	swait.ge [sflag:s26], $0x1000  }
0x40: {  	[sflag:s26] =	ssyncset.done $0x0  }
0x41: {  	s7 =	rddreg [dreg:$0x9];
	[sflag:s26] =	ssyncadd.s32 $0xFFFFF000  }
0x42: {  	[tilespmem:s13], [sflag:$0x3] =	stream.indirect.gather.add.f32 [hbm:s3], $0x20, s7, s10, $0xb8;
	[tilespmem:$0x8800] =	vst v63  }
0x43: {  	_ =	swait.ge [sflag:s28], $0x1000  }
0x44: {  	p0 =	por $0x1, $0x1;
	[sflag:s28] =	ssyncset.done $0x0  }
0x45: {  	s4 =	simm.s32 @!p0 $0xB;
	s8 =	rddreg [dreg:$0xa];
	[sflag:s28] =	ssyncadd.s32 $0xFFFFF000  }
0x46: {  	[tilespmem:s17], [sflag:$0x4] =	stream.indirect.gather.add.f32 [hbm:s3], $0x20, s8, s10, $0xb8;
	[tilespmem:$0x8800] =	vst v63  }
0x47: {  	_ =	swait.ge @!p0 [sflag:s4], $0x4000  }
0x48: {  	[sflag:s4] =	ssyncset.done @!p0 $0x0  }
0x49: {  	[sflag:s4] =	ssyncadd.s32 @!p0 $0xFFFFC000  }
0x4a: {  	_ =	swait.ge [sflag:s24], $0x1000  }
0x4b: {  	[sflag:s24] =	ssyncset.done $0x0  }
0x4c: {  	[sflag:s24] =	ssyncadd.s32 $0xFFFFF000  }
0x4d: {  	_ =	swait.ge [sflag:s25], $0x1000  }
0x4e: {  	[sflag:s25] =	ssyncset.done $0x0  }
0x4f: {  	[sflag:s25] =	ssyncadd.s32 $0xFFFFF000  }
0x50: {  	_ =	swait.ge [sflag:s26], $0x1000  }
0x51: {  	[sflag:s26] =	ssyncset.done $0x0  }
0x52: {  	[sflag:s26] =	ssyncadd.s32 $0xFFFFF000  }
0x53: {  	_ =	swait.ge [sflag:s28], $0x1000  }
0x54: {  	p1 =	por $0x0, $0x0;
	s0 =	rddreg [dreg:$0x4]  }
0x55: {  	p2 =	por $0x0, $0x0;
	[sflag:s28] =	ssyncset.done $0x0;
	s0 =	sadd.s32 @!p1 $0x0, s0  }
0x56: {  	s4 =	simm.s32 @!p1 $0x0;
	[sflag:s28] =	ssyncadd.s32 $0xFFFFF000;
	s5 =	sadd.s32 @!p1 $0x100, s0  }
0x57: {  	[tilespmem:s4], [sflag:$0x9] =	stream.linear.gather @!p1 [hbm4b:s5+s4], $0x400, $0x38;
	[tilespmem:$0x8800] =	vst v63  }
0x58: {  	s8 =	rddreg [dreg:$0x13];
	s5 =	simm.s32 @!p2 $0x9  }
0x59: {  	[hbm4b:s8+s2] =	stream.linear.scatter [tilespmem:s11], [sflag:$0xB], $0x4000, $0x38;
	[tilespmem:$0x8800] =	vst v63  }
0x5a: {  	_ =	swait.ge @!p2 [sflag:s5], $0x400  }
0x5b: {  	s6 =	simm.s32 @!p2 $0x800;
	[sflag:s5] =	ssyncset.done @!p2 $0x0  }
0x5c: {  	s7 =	simm.s32 @!p2 $0x80;
	[sflag:s5] =	ssyncadd.s32 @!p2 $0xFFFFFC00;
	s5 =	simm.s32 @!p2 $0x0  }
0x5d: {  	[tilespmem:s6], [sflag:$0x1] =	stream.indirect.gather @!p2 [hbm4b:s3+s7], $0x20, s5, s7, $0xb8;
	[tilespmem:$0x8800] =	vst v63  }
0x5e: {  	s5 =	simm.s32 @!p2 $0x100;
	s6 =	simm.s32 @!p2 $0x1800  }
0x5f: {  	[tilespmem:s6], [sflag:$0x2] =	stream.indirect.gather @!p2 [hbm4b:s3+s7], $0x20, s5, s7, $0xb8;
	[tilespmem:$0x8800] =	vst v63  }
0x60: {  	s5 =	simm.s32 @!p2 $0x200;
	s6 =	simm.s32 @!p2 $0x2800  }
0x61: {  	[tilespmem:s6], [sflag:$0x3] =	stream.indirect.gather @!p2 [hbm4b:s3+s7], $0x20, s5, s7, $0xb8;
	[tilespmem:$0x8800] =	vst v63  }
0x62: {  	s5 =	simm.s32 @!p2 $0x300;
	s6 =	simm.s32 @!p2 $0x3800  }
0x63: {  	[tilespmem:s6], [sflag:$0x4] =	stream.indirect.gather @!p2 [hbm4b:s3+s7], $0x20, s5, s7, $0xb8;
	[tilespmem:$0x8800] =	vst v63  }
0x64: {  	_ =	swait.ge [sflag:s29], $0x1000  }
0x65: {  	[sflag:s29] =	ssyncset.done $0x0  }
0x66: {  	s12 =	rddreg [dreg:$0xb];
	[sflag:s29] =	ssyncadd.s32 $0xFFFFF000  }
0x67: {  	[tilespmem:s20], [sflag:$0x5] =	stream.indirect.gather.add.f32 [hbm:s3], $0x20, s12, s10, $0xb8;
	[tilespmem:$0x8800] =	vst v63  }
0x68: {  	_ =	swait.ge [sflag:s30], $0x1000  }
0x69: {  	[sflag:s30] =	ssyncset.done $0x0  }
0x6a: {  	s14 =	rddreg [dreg:$0xc];
	[sflag:s30] =	ssyncadd.s32 $0xFFFFF000  }
0x6b: {  	[tilespmem:s21], [sflag:$0x6] =	stream.indirect.gather.add.f32 [hbm:s3], $0x20, s14, s10, $0xb8;
	[tilespmem:$0x8800] =	vst v63  }
0x6c: {  	_ =	swait.ge [sflag:s31], $0x1000  }
0x6d: {  	[sflag:s31] =	ssyncset.done $0x0  }
0x6e: {  	s15 =	rddreg [dreg:$0xd];
	[sflag:s31] =	ssyncadd.s32 $0xFFFFF000  }
0x6f: {  	[tilespmem:s22], [sflag:$0x7] =	stream.indirect.gather.add.f32 [hbm:s3], $0x20, s15, s10, $0xb8;
	[tilespmem:$0x8800] =	vst v63  }
0x70: {  	_ =	swait.ge [sflag:s1], $0x1000  }
0x71: {  	[sflag:s1] =	ssyncset.done $0x0  }
0x72: {  	s6 =	simm.s32 @!p0 $0xC;
	s16 =	rddreg [dreg:$0xe];
	[sflag:s1] =	ssyncadd.s32 $0xFFFFF000  }
0x73: {  	[tilespmem:s23], [sflag:$0x8] =	stream.indirect.gather.add.f32 [hbm:s3], $0x20, s16, s10, $0xb8;
	[tilespmem:$0x8800] =	vst v63  }
0x74: {  	_ =	swait.ge @!p0 [sflag:s6], $0x4000  }
0x75: {  	[sflag:s6] =	ssyncset.done @!p0 $0x0  }
0x76: {  	[sflag:s6] =	ssyncadd.s32 @!p0 $0xFFFFC000  }
0x77: {  	_ =	swait.ge [sflag:s29], $0x1000  }
0x78: {  	[sflag:s29] =	ssyncset.done $0x0  }
0x79: {  	[sflag:s29] =	ssyncadd.s32 $0xFFFFF000  }
0x7a: {  	_ =	swait.ge [sflag:s30], $0x1000  }
0x7b: {  	[sflag:s30] =	ssyncset.done $0x0  }
0x7c: {  	[sflag:s30] =	ssyncadd.s32 $0xFFFFF000  }
0x7d: {  	_ =	swait.ge [sflag:s31], $0x1000  }
0x7e: {  	[sflag:s31] =	ssyncset.done $0x0  }
0x7f: {  	[sflag:s31] =	ssyncadd.s32 $0xFFFFF000  }
0x80: {  	_ =	swait.ge [sflag:s1], $0x1000  }
0x81: {  	s0 =	sadd.s32 @!p1 $0x180, s0;
	s5 =	simm.s32 @!p1 $0x400;
	[sflag:s1] =	ssyncset.done $0x0  }
0x82: {  	s16 =	simm.s32 $0x100;
	s6 =	rddreg [dreg:$0x12];
	[sflag:s1] =	ssyncadd.s32 $0xFFFFF000  }
0x83: {  	[tilespmem:s5], [sflag:$0xA] =	stream.linear.gather @!p1 [hbm4b:s0+s4], $0x400, $0x38;
	[tilespmem:$0x8800] =	vst v63  }
0x84: {  	s7 =	smov.u32 s6;
	s5 =	sadd.s32 $0x1000, s8;
	s4 =	simm.s32 $0x1  }
.LBB2_2:
0x85: {  	[hbm4b:s6+s2] =	stream.linear.scatter [tilespmem:s20], [sflag:$0xC], $0x4000, $0x38;
	[tilespmem:$0x8800] =	vst v63  }
0x86: {  	_ =	swait.ge [sflag:s19], $0x400  }
0x87: {  	[sflag:s19] =	ssyncset.done $0x0  }
0x88: {  	[sflag:s19] =	ssyncadd.s32 $0xFFFFFC00  }
0x89: {  	[tilespmem:s20], [sflag:$0x5] =	stream.indirect.gather [hbm4b:s3+s10], $0x20, s18, s10, $0xb8;
	[tilespmem:$0x8800] =	vst v63  }
0x8a: {  	s12 =	rddreg [dreg:$0x5]  }
0x8b: {  	[tilespmem:s21], [sflag:$0x6] =	stream.indirect.gather [hbm4b:s3+s10], $0x20, s12, s10, $0xb8;
	[tilespmem:$0x8800] =	vst v63  }
0x8c: {  	s8 =	rddreg [dreg:$0x6]  }
0x8d: {  	[tilespmem:s22], [sflag:$0x7] =	stream.indirect.gather [hbm4b:s3+s10], $0x20, s8, s10, $0xb8;
	[tilespmem:$0x8800] =	vst v63  }
0x8e: {  	s14 =	rddreg [dreg:$0x7]  }
0x8f: {  	[tilespmem:s23], [sflag:$0x8] =	stream.indirect.gather [hbm4b:s3+s10], $0x20, s14, s10, $0xb8;
	[tilespmem:$0x8800] =	vst v63  }
0x90: {  	_ =	swait.ge [sflag:s24], $0x1000  }
0x91: {  	[sflag:s24] =	ssyncset.done $0x0  }
0x92: {  	[sflag:s24] =	ssyncadd.s32 $0xFFFFF000  }
0x93: {  	[tilespmem:s11], [sflag:$0x1] =	stream.indirect.gather.add.f32 [hbm:s3], $0x20, s10, s10, $0xb8;
	[tilespmem:$0x8800] =	vst v63  }
0x94: {  	_ =	swait.ge [sflag:s25], $0x1000  }
0x95: {  	[sflag:s25] =	ssyncset.done $0x0  }
0x96: {  	s15 =	rddreg [dreg:$0x8];
	[sflag:s25] =	ssyncadd.s32 $0xFFFFF000  }
0x97: {  	[tilespmem:s9], [sflag:$0x2] =	stream.indirect.gather.add.f32 [hbm:s3], $0x20, s15, s10, $0xb8;
	[tilespmem:$0x8800] =	vst v63  }
0x98: {  	_ =	swait.ge [sflag:s26], $0x1000  }
0x99: {  	[sflag:s26] =	ssyncset.done $0x0  }
0x9a: {  	s12 =	rddreg [dreg:$0x9];
	[sflag:s26] =	ssyncadd.s32 $0xFFFFF000  }
0x9b: {  	[tilespmem:s13], [sflag:$0x3] =	stream.indirect.gather.add.f32 [hbm:s3], $0x20, s12, s10, $0xb8;
	[tilespmem:$0x8800] =	vst v63  }
0x9c: {  	s0 =	smov.u32 s16;
	_ =	swait.ge [sflag:s28], $0x1000  }
0x9d: {  	p1 =	seq.s32 s0, $0x0;
	[sflag:s28] =	ssyncset.done $0x0  }
0x9e: {  	s12 =	simm.s32 @!p1 $0xB;
	s14 =	rddreg [dreg:$0xa];
	[sflag:s28] =	ssyncadd.s32 $0xFFFFF000  }
0x9f: {  	[tilespmem:s17], [sflag:$0x4] =	stream.indirect.gather.add.f32 [hbm:s3], $0x20, s14, s10, $0xb8;
	[tilespmem:$0x8800] =	vst v63  }
0xa0: {  	_ =	swait.ge @!p1 [sflag:s12], $0x4000  }
0xa1: {  	[sflag:s12] =	ssyncset.done @!p1 $0x0  }
0xa2: {  	[sflag:s12] =	ssyncadd.s32 @!p1 $0xFFFFC000  }
0xa3: {  	_ =	swait.ge [sflag:s24], $0x1000  }
0xa4: {  	[sflag:s24] =	ssyncset.done $0x0  }
0xa5: {  	[sflag:s24] =	ssyncadd.s32 $0xFFFFF000  }
0xa6: {  	_ =	swait.ge [sflag:s25], $0x1000  }
0xa7: {  	[sflag:s25] =	ssyncset.done $0x0  }
0xa8: {  	[sflag:s25] =	ssyncadd.s32 $0xFFFFF000  }
0xa9: {  	_ =	swait.ge [sflag:s26], $0x1000  }
0xaa: {  	[sflag:s26] =	ssyncset.done $0x0  }
0xab: {  	[sflag:s26] =	ssyncadd.s32 $0xFFFFF000  }
0xac: {  	_ =	swait.ge [sflag:s28], $0x1000  }
0xad: {  	s4 =	sadd.s32 $0x2, s4;
	p2 =	seq.s32 s0, $0x1800;
	s8 =	rddreg [dreg:$0x4]  }
0xae: {  	p3 =	sgt.u32 s4, $0x30;
	[sflag:s28] =	ssyncset.done $0x0;
	s8 =	sadd.s32 @!p2 s0, s8  }
0xaf: {  	[sflag:s28] =	ssyncadd.s32 $0xFFFFF000;
	s0 =	simm.s32 @!p2 $0x0;
	s9 =	sadd.s32 @!p2 $0x100, s8  }
0xb0: {  	[tilespmem:s0], [sflag:$0x9] =	stream.linear.gather @!p2 [hbm4b:s9+s0], $0x400, $0x38;
	[tilespmem:$0x8800] =	vst v63  }
0xb1: {  	s12 =	sadd.s32 @!p2 $0x180, s8;
	s8 =	simm.s32 @!p3 $0x9  }
0xb2: {  	[hbm4b:s5+s2] =	stream.linear.scatter [tilespmem:s11], [sflag:$0xB], $0x4000, $0x38;
	[tilespmem:$0x8800] =	vst v63  }
0xb3: {  	_ =	swait.ge @!p3 [sflag:s8], $0x400  }
0xb4: {  	s13 =	simm.s32 @!p3 $0x0;
	[sflag:s8] =	ssyncset.done @!p3 $0x0  }
0xb5: {  	s14 =	simm.s32 @!p3 $0x80;
	s9 =	simm.s32 @!p3 $0x800;
	[sflag:s8] =	ssyncadd.s32 @!p3 $0xFFFFFC00  }
0xb6: {  	[tilespmem:s9], [sflag:$0x1] =	stream.indirect.gather @!p3 [hbm4b:s3+s14], $0x20, s13, s14, $0xb8;
	[tilespmem:$0x8800] =	vst v63  }
0xb7: {  	s15 =	simm.s32 @!p3 $0x1800;
	s8 =	simm.s32 @!p3 $0x100  }
0xb8: {  	[tilespmem:s15], [sflag:$0x2] =	stream.indirect.gather @!p3 [hbm4b:s3+s14], $0x20, s8, s14, $0xb8;
	[tilespmem:$0x8800] =	vst v63  }
0xb9: {  	s9 =	simm.s32 @!p3 $0x200;
	s13 =	simm.s32 @!p3 $0x2800  }
0xba: {  	[tilespmem:s13], [sflag:$0x3] =	stream.indirect.gather @!p3 [hbm4b:s3+s14], $0x20, s9, s14, $0xb8;
	[tilespmem:$0x8800] =	vst v63  }
0xbb: {  	s8 =	simm.s32 @!p3 $0x300;
	s15 =	simm.s32 @!p3 $0x3800  }
0xbc: {  	[tilespmem:s15], [sflag:$0x4] =	stream.indirect.gather @!p3 [hbm4b:s3+s14], $0x20, s8, s14, $0xb8;
	[tilespmem:$0x8800] =	vst v63  }
0xbd: {  	_ =	swait.ge [sflag:s29], $0x1000  }
0xbe: {  	[sflag:s29] =	ssyncset.done $0x0  }
0xbf: {  	s15 =	rddreg [dreg:$0xb];
	[sflag:s29] =	ssyncadd.s32 $0xFFFFF000  }
0xc0: {  	[tilespmem:s20], [sflag:$0x5] =	stream.indirect.gather.add.f32 [hbm:s3], $0x20, s15, s10, $0xb8;
	[tilespmem:$0x8800] =	vst v63  }
0xc1: {  	_ =	swait.ge [sflag:s30], $0x1000  }
0xc2: {  	[sflag:s30] =	ssyncset.done $0x0  }
0xc3: {  	s9 =	rddreg [dreg:$0xc];
	[sflag:s30] =	ssyncadd.s32 $0xFFFFF000  }
0xc4: {  	[tilespmem:s21], [sflag:$0x6] =	stream.indirect.gather.add.f32 [hbm:s3], $0x20, s9, s10, $0xb8;
	[tilespmem:$0x8800] =	vst v63  }
0xc5: {  	_ =	swait.ge [sflag:s31], $0x1000  }
0xc6: {  	[sflag:s31] =	ssyncset.done $0x0  }
0xc7: {  	s14 =	rddreg [dreg:$0xd];
	[sflag:s31] =	ssyncadd.s32 $0xFFFFF000  }
0xc8: {  	[tilespmem:s22], [sflag:$0x7] =	stream.indirect.gather.add.f32 [hbm:s3], $0x20, s14, s10, $0xb8;
	[tilespmem:$0x8800] =	vst v63  }
0xc9: {  	_ =	swait.ge [sflag:s1], $0x1000  }
0xca: {  	[sflag:s1] =	ssyncset.done $0x0  }
0xcb: {  	s9 =	simm.s32 @!p1 $0xC;
	s15 =	rddreg [dreg:$0xe];
	[sflag:s1] =	ssyncadd.s32 $0xFFFFF000  }
0xcc: {  	[tilespmem:s23], [sflag:$0x8] =	stream.indirect.gather.add.f32 [hbm:s3], $0x20, s15, s10, $0xb8;
	[tilespmem:$0x8800] =	vst v63  }
0xcd: {  	_ =	swait.ge @!p1 [sflag:s9], $0x4000  }
0xce: {  	[sflag:s9] =	ssyncset.done @!p1 $0x0  }
0xcf: {  	[sflag:s9] =	ssyncadd.s32 @!p1 $0xFFFFC000  }
0xd0: {  	_ =	swait.ge [sflag:s29], $0x1000  }
0xd1: {  	[sflag:s29] =	ssyncset.done $0x0  }
0xd2: {  	[sflag:s29] =	ssyncadd.s32 $0xFFFFF000  }
0xd3: {  	_ =	swait.ge [sflag:s30], $0x1000  }
0xd4: {  	[sflag:s30] =	ssyncset.done $0x0  }
0xd5: {  	[sflag:s30] =	ssyncadd.s32 $0xFFFFF000  }
0xd6: {  	s16 =	sadd.s32 $0x100, s16;
	_ =	swait.ge [sflag:s31], $0x1000  }
0xd7: {  	p0 =	sne.s32 s16, $0x1900;
	[sflag:s31] =	ssyncset.done $0x0  }
.Ltmp0:
0xd8: {  	s7 =	sadd.s32 $0x1000, s7;
	[sflag:s31] =	ssyncadd.s32 $0xFFFFF000;
	(pc) =	sbr.rel @p0 .LBB2_2-.Ltmp0, $4  }
0xd9: {  	s6 =	smov.u32 s7;
	_ =	swait.ge [sflag:s1], $0x1000  }
0xda: {  	s5 =	sadd.s32 $0x1000, s5;
	s13 =	simm.s32 $0x2800;
	[sflag:s1] =	ssyncset.done $0x0  }
0xdb: {  	s8 =	simm.s32 @!p2 $0x400;
	s9 =	simm.s32 $0x1800;
	[sflag:s1] =	ssyncadd.s32 $0xFFFFF000  }
0xdc: {  	[tilespmem:s8], [sflag:$0xA] =	stream.linear.gather @!p2 [hbm4b:s12+s0], $0x400, $0x38;
	[tilespmem:$0x8800] =	vst v63  }
0xdd: {  	[hbm4b:s6+s2] =	stream.linear.scatter [tilespmem:s20], [sflag:$0xC], $0x4000, $0x38;
	[tilespmem:$0x8800] =	vst v63  }
0xde: {  	s0 =	simm.s32 $0xB  }
0xdf: {  	_ =	swait.ge [sflag:s0], $0x4000  }
0xe0: {  	[sflag:s0] =	ssyncset.done $0x0  }
0xe1: {  	s4 =	simm.s32 $0xC;
	[sflag:s0] =	ssyncadd.s32 $0xFFFFC000  }
0xe2: {  	_ =	swait.ge [sflag:s4], $0x4000  }
0xe3: {  	s5 =	rddreg [dreg:$0x14]  }
0xe4: {  	s16 =	rddreg [dreg:$0x11];
	s5 =	sadd.s32 $0x1, s5  }
0xe5: {  	p0 =	sne.s32 s5, s16  }
.Ltmp1:
0xe6: {  	_ = 	snop;
	(pc) =	sbr.rel @p0 .LBB2_1-.Ltmp1, $3  }
0xe7: {  	_ =	sdelay $0x1  }
0xe8: {  	[sflag:s4] =	ssyncset.done $0x0  }
0xe9: {  	[sflag:s4] =	ssyncadd.s32 $0xFFFFC000  }
0xea: {  	_ =	sfence.sel $0x180000  }
0xeb: {  	[bflag:$0x0] =	sbarrier.arrive $0xFFFF  }
0xec: {  	_ =	strace $0x90000047  }
0xed: {  	s0 =	stileid.u32;
	[bflag:$0x2] =	sbarrier.arrive $0xFFFF  }
0xee: {  	p0 =	sne.s32 s0, $0x0;
	s0 =	rddreg [dreg:$0x3]  }
0xef: {  	s0 =	sadd.s32 @!p0 $0x100000, s0  }
0xf0: {  	[sflag:s0] =	ssyncadd.tile.s32 @!p0 $0x1;
	_ =	shalt  }
.Lfunc_end2:
_tile_overlayer_lowered:
.L_overlay_start_2:
0xf1: {  	(tag) =	ssettag $0x2  }
0xf2: {  	s0 =	rddreg [dreg:$0x0];
	s2 =	stileid.u32  }
0xf3: {  	s1 =	rddreg [dreg:$0x1];
	p0 =	sne.s32 s2, $0x0  }
0xf4: {  	s3 =	rddreg [dreg:$0x2];
	[bflag:$0x3] =	sbarrier.arrive $0xFFFF;
	s2 =	simm.s32 @!p0 $0x1C0D  }
0xf5: {  	[timem:s3], [sflag:s2] =	dma.local @!p0 [hbm:s0], s1  }
0xf6: {  	s0 =	simm.s32 @!p0 $0xD  }
0xf7: {  	_ =	swait.ge @!p0 [sflag:s0], s1  }
0xf8: {  	s1 =	ssub.s32 @!p0 $0x0, s1;
	[sflag:s0] =	ssyncset.done @!p0 $0x0  }
0xf9: {  	[sflag:s0] =	ssyncadd.s32 @!p0 s1  }
0xfa: {  	[bflag:$0x3] =	sbarrier.arrive $0xFFFF  }
0xfb: {  	_ =	shalt  }

// kernel: sparse-core-data-format-call.cloned.1.call-start
scs
called_computation_lowered:
.L_overlay_start_0:
0x0: {  	s2 =	sld [smem:$0x3FD9]  }
0x1: {  	s3 =	sld [smem:$0x3FFE];
	_ =	sdelay $0x1  }
0x2: {  	s1 =	srdreg.scid  }
0x3: {  	s0 =	sand.u32 $0x1, s1  }
0x4: {  	s18 =	sshll.u32 s0, $0xA;
	s2 =	sadd.s32 s3, s2  }
0x5: {  	s2 =	sadd.s32 s2, s18  }
0x6: {  	[smem:$0x3FC6] =	sst s2  }
0x7: {  	_ = 	snop  }
0x8: {  	s2 =	sld [smem:$0x3FD0];
	(tm) =	ssettm $0x1  }
0x9: {  	s19 =	sld [smem:$0x3FFB];
	_ =	sdelay $0x3  }
0xa: {  	_ =	strace s19  }
0xb: {  	s3 =	sld [smem:$0x3FFC];
	_ =	sdelay $0x3  }
0xc: {  	_ =	strace s3  }
0xd: {  	s3 =	sld [smem:$0x3FFD];
	_ =	sdelay $0x3  }
0xe: {  	_ =	strace s3  }
0xf: {  	_ =	strace $0x8FFFFFFF  }
0x10: {  	s20 =	sld [smem:$0x3FDB];
	_ =	sdelay $0x1  }
0x11: {  	s4 =	simm.s32 $_scs_section_size  }
0x12: {  	s5 =	simm.s32 $_size__tile_overlayer_lowered;
	s6 =	simm.s32 $_tile_overlayer_lowered  }
0x13: {  	s23 =	simm.s32 $0x1BFF;
	s22 =	sshll.u32 s6, $0x1;
	s3 =	sadd.s32 s4, s20  }
0x14: {  	s7 =	simm.s32 $0x0;
	s21 =	sshll.u32 s5, $0x1;
	s5 =	sadd.s32 s22, s3  }
0x15: {  	[timem:s7], [sflag:s23] =	dma.local [hbm:s5], s21  }
0x16: {  	_ =	swait.ge [sflag:s23], s21  }
0x17: {  	s4 =	ssub.s32 $0x0, s21;
	[sflag:s23] =	ssyncset.done $0x0  }
0x18: {  	[sflag:s23] =	ssyncadd.s32 s4;
	_ =	sdelay $0x1  }
0x19: {  	s24 =	simm.s32 $0x1B8B  }
0x1a: {  	_ =	swait.ge [sflag:s24], $0x1  }
0x1b: {  	[sflag:s24] =	ssyncset.done $0x0  }
0x1c: {  	s26 =	simm.s32 $0x1B8E;
	s25 =	sld [smem:$0x3FFE];
	[sflag:s24] =	ssyncadd.s32 $0xFFFFFFFF  }
0x1d: {  	s27 =	simm.s32 $execute0_lowered;
	[smem:$0x3FD2] =	sst s26  }
0x1e: {  	s5 =	sshll.u32 s27, $0x1;
	_ =	strace $0x80000049;
	[dreg:$0x1] =	wrdreg $0xFFFFFFFF  }
0x1f: {  	s28 =	simm.s32 $_size_execute0_lowered;
	s3 =	sadd.s32 s3, s5;
	[dreg:$0x0] =	wrdreg $0x0  }
0x20: {  	s5 =	sshll.u32 s28, $0x1;
	[dreg:$0x2] =	wrdreg s3  }
0x21: {  	[dreg:$0x3] =	wrdreg s5  }
0x22: {  	[dreg:$0x4] =	wrdreg $0xC0  }
0x23: {  	_ =	task [dreg:s7], $0x5FFFF  }
0x24: {  	[dreg:$0x1] =	wrdreg $0xFFFFFFFF  }
0x25: {  	[dreg:$0x0] =	wrdreg $0x60  }
0x26: {  	[dreg:$0x2] =	wrdreg s25  }
0x27: {  	[dreg:$0x3] =	wrdreg s2  }
0x28: {  	[dreg:$0x4] =	wrdreg $0x9  }
0x29: {  	_ =	task.clear_ibuf [dreg:s7], $0x5FFFF;
	_ =	strace $0x90000049  }
0x2a: {  	s29 =	simm.s32 $0x9;
	_ =	strace $0x8000004B  }
0x2b: {  	_ =	swait.ge [sflag:s29], $0x1  }
0x2c: {  	[sflag:s29] =	ssyncadd.s32 $0xFFFFFFFF  }
0x2d: {  	_ =	strace $0x9000004B  }
0x2e: {  	_ =	sfence  }
0x2f: {  	s30 =	sld [smem:$0x0];
	_ =	sdelay $0x2  }
0x30: {  	s31 =	sshll.u32 s1, $0xD;
	s1 =	sshrl.u32 s1, $0x2  }
0x31: {  	s3 =	sand.u32 $0x4000, s31;
	s1 =	sadd.s32 s1, s30  }
0x32: {  	s0 =	sor.u32 s3, s0;
	s1 =	sshll.u32 s1, $0x11  }
0x33: {  	s0 =	sor.u32 s1, s0  }
0x34: {  	s0 =	sadd.s32 $0x8F2B, s0  }
0x35: {  	[sflag:s0] =	ssyncadd.remote.s32 $0x1  }
0x36: {  	_ =	sfence.sel $0xFFFF  }
0x37: {  	[dreg:$0x0] =	wrdreg $0xFFFFFFFF;
	(pc) =	sbr.abs _section_cstart, $3  }
0x38: {  	[dreg:$0x1] =	wrdreg $0xFFFFFFFF  }
0x39: {  	_ =	task.clear_ibuf [dreg:s7], $0x2FFFF;
	_ =	strace $0x9FFFFFFF  }
0x3a: {  	(tm) =	ssettm $0x7FFFFFFF  }
0x3b: {  	_ =	shalt  }
tec
execute0_lowered:
.L_overlay_start_1:
0x0: {  	(tag) =	ssettag $0x1  }
0x1: {  	s0 =	srdreg.scid;
	s5 =	rddreg [dreg:$0x0]  }
0x2: {  	s2 =	rddreg [dreg:$0x1];
	s1 =	sshll.u32 s0, $0x4  }
0x3: {  	s9 =	simm.s32 $0x2;
	s0 =	stileid.u32;
	s1 =	sand.u32 $0x10, s1  }
0x4: {  	s15 =	simm.s32 $0x0;
	s11 =	simm.s32 $0x400;
	s4 =	sor.u32 s0, s1  }
0x5: {  	s12 =	simm.s32 $0x8000;
	s16 =	simm.s32 $0x0;
	s3 =	sshll.u32 s4, $0x7  }
0x6: {  	s13 =	simm.s32 $0x0;
	s1 =	rddreg [dreg:$0x2];
	s6 =	ssub.s32 $0x1000, s3  }
0x7: {  	_ =	strace $0x8000004A;
	s8 =	sshll.u32 s4, $0xB;
	s7 =	sand.u32 $0xF80, s6  }
0x8: {  	s4 =	simm.s32 $0x1;
	p0 =	sne.s32 s7, $0x0;
	s7 =	simm.s32 $0x1  }
.Ltmp0:
0x9: {  	s6 =	sshrl.u32 s6, $0xC;
	s7 =	simm.s32 @!p0 $0x0;
	(pc) =	sbr.rel .LBB1_1-.Ltmp0, $4  }
0xa: {  	s14 =	simm.s32 $0x0;
	[sflag:s4] =	ssyncpa.u1 $0x0;
	s6 =	sadd.s32 s7, s6  }
0xb: {  	s10 =	sadd.s32 s8, s5;
	[sflag:s9] =	ssyncpa.u1 $0x0;
	s5 =	smul.u32 $0x32, s6  }
0xc: {  	s8 =	sadd.s32 $0x20800, s10;
	s9 =	sadd.s32 $0x30800, s10;
	p0 =	por $0x0, $0x0  }
0xd: {  	s7 =	sadd.s32 $0x10800, s10;
	s6 =	sadd.s32 $0x800, s10;
	s10 =	sor.u32 $0x1, s5  }
.LBB1_7:
0xe: {  	s17 =	sadd.s32 $0x4, s13  }
0xf: {  	p2 =	sgt.s32 s17, $0xC7  }
0x10: {  	s17 =	simm.s32 @p2 $0x0;
	p2 =	sne.s32 s14, s10  }
.Ltmp1:
0x11: {  	p1 =	slt.u32 s14, $0x2;
	(pc) =	sbr.rel @!p2 .LBB1_8-.Ltmp1, $4  }
0x12: {  	s15 =	simm.s32 @!p1 $0x2  }
0x13: {  	s18 =	sadd.s32 $0x1, s14;
	s16 =	smov.u32 s13;
	_ =	swait.ge @!p1 [sflag:s15], $0x4000  }
0x14: {  	p0 =	por !p0, !p0;
	s14 =	smov.u32 s18;
	[sflag:s15] =	ssyncset.done @!p1 $0x0  }
0x15: {  	s13 =	smov.u32 s17;
	[sflag:s15] =	ssyncadd.s32 @!p1 $0xFFFFC000;
	s15 =	smov.u32 s3  }
.LBB1_1:
0x16: {  	p1 =	sge.u32 s14, s5  }
0x17: {  	s17 =	sxor.u32 @!p1 $0xFFFFFFFF, s14  }
0x18: {  	s18 =	sshll.u32 @!p1 s13, $0x10;
	s20 =	simm.s32 @!p1 $0x20;
	s17 =	sshll.u32 @!p1 s17, $0xE  }
0x19: {  	s21 =	simm.s32 @!p1 $0x80;
	s19 =	sadd.s32 @!p1 s18, s6;
	s17 =	sand.u32 @!p1 $0x4000, s17  }
0x1a: {  	[tilespmem:s17], [sflag:$0x1] =	stream.strided.gather @!p1 [hbm4b:s19+s20], $0x1000, s21, s20, $0x38;
	[tilespmem:$0x10100] =	vst v63  }
0x1b: {  	s19 =	sadd.s32 @!p1 s18, s7;
	s22 =	sor.u32 @!p1 $0x1000, s17  }
0x1c: {  	[tilespmem:s22], [sflag:$0x1] =	stream.strided.gather @!p1 [hbm4b:s19+s20], $0x1000, s21, s20, $0x38;
	[tilespmem:$0x10100] =	vst v63  }
0x1d: {  	s19 =	sadd.s32 @!p1 s18, s8;
	s22 =	sor.u32 @!p1 $0x2000, s17  }
0x1e: {  	[tilespmem:s22], [sflag:$0x1] =	stream.strided.gather @!p1 [hbm4b:s19+s20], $0x1000, s21, s20, $0x38;
	[tilespmem:$0x10100] =	vst v63  }
0x1f: {  	s31 =	sadd.s32 $0xFFFFFFFF, s14;
	s18 =	sadd.s32 @!p1 s18, s9;
	s17 =	sor.u32 @!p1 $0x3000, s17  }
0x20: {  	[tilespmem:s17], [sflag:$0x1] =	stream.strided.gather @!p1 [hbm4b:s18+s20], $0x1000, s21, s20, $0x38;
	[tilespmem:$0x10100] =	vst v63  }
0x21: {  	p1 =	sge.u32 s31, s5  }
.Ltmp2:
0x22: {  	_ = 	snop;
	(pc) =	sbr.rel @p1 .LBB1_7-.Ltmp2, $1  }
0x23: {  	_ =	sdelay $0x3  }
0x24: {  	s18 =	simm.s32 $0x1;
	s19 =	sand.u32 $0x1, s14  }
0x25: {  	_ =	swait.ge [sflag:s4], $0x4000;
	s18 =	simm.s32 @!p0 $0x0;
	s20 =	smul.u32 $0x10200, s19  }
0x26: {  	[sflag:s4] =	ssyncset.done $0x0;
	s17 =	smul.u32 $0x10200, s18  }
0x27: {  	s18 =	sshll.u32 s18, $0xE;
	[sflag:s4] =	ssyncadd.s32 $0xFFFFC000  }
0x28: {  	s19 =	sor.u32 $0x10, s18;
	s31 =	sshrl.u32 s20, $0x2;
	s17 =	sshrl.u32 s17, $0x2  }
0x29: {  	s20 =	simm.s32 $0x0;
	s18 =	sor.u32 $0x8000, s31;
	s17 =	sor.u32 $0x8000, s17  }
.LBB1_3:
0x2a: {  	v1 =	vld [tilespmem:s19+$0x0]  }
0x2b: {  	v0 =	vld [tilespmem:s19+$0xFFFFFFF0];
	_ =	sdelay $0x2  }
0x2c: {  	s23 =	sadd.s32 $0x0, s17  }
0x2d: {  	s21 =	simm.s32 $0x4;
	s22 =	sadd.s32 $0x20, s19;
	[tilespmem:s23+$0x810 ss:$0x81] =	vst.msk $0xffff, v1  }
.LBB1_4:
0x2e: {  	v1 =	vld [tilespmem:s22+$0x0];
	p1 =	sne.s32 s21, $0x1FC;
	[tilespmem:s23+$0x0 ss:$0x81] =	vst.msk $0xffff, v0;
	s23 =	smov.u32 s21;
	s21 =	sadd.s32 $0x4, s21  }
.Ltmp3:
0x2f: {  	v0 =	vld [tilespmem:s22+$0xFFFFFFF0];
	(pc) =	sbr.rel @p1 .LBB1_4-.Ltmp3, $4  }
0x30: {  	_ = 	snop  }
0x31: {  	s23 =	sshra.s32 s23, $0x2  }
0x32: {  	s23 =	sadd.s32 s23, s17  }
0x33: {  	s22 =	sadd.s32 $0x20, s22;
	[tilespmem:s23+$0x810 ss:$0x81] =	vst.msk $0xffff, v1  }
0x34: {  	s20 =	sadd.s32 $0x1, s20  }
0x35: {  	p1 =	sne.s32 s20, $0x4  }
.Ltmp4:
0x36: {  	_ = 	snop;
	(pc) =	sbr.rel @p1 .LBB1_3-.Ltmp4, $2  }
0x37: {  	_ =	sdelay $0x2  }
0x38: {  	[tilespmem:s23+$0x0 ss:$0x81] =	vst.msk $0xffff, v0;
	s17 =	sadd.s32 $0x1020, s17;
	s19 =	sadd.s32 $0x1000, s19  }
.Ltmp5:
0x39: {  	(pc) =	sbr.rel .LBB1_7-.Ltmp5, $4  }
0x3a: {  	s16 =	sshll.u32 s16, $0xE  }
0x3b: {  	s16 =	sadd.s32 s2, s16  }
0x3c: {  	s15 =	sadd.s32 s15, s16  }
0x3d: {  	[hbm4b:s15+s11] =	stream.strided.scatter [tilespmem:s18], [sflag:$0x2], $0x4000, s12, s11, $0x20;
	[tilespmem:$0x10100] =	vst v63  }
.LBB1_8:
0x3e: {  	_ =	sfence.sel $0x180000  }
0x3f: {  	s2 =	simm.s32 $0x1;
	[bflag:$0x0] =	sbarrier.arrive $0xFFFF  }
0x40: {  	s31 =	simm.s32 $0x2;
	[sflag:s2] =	ssyncpa.u1 $0x1  }
0x41: {  	[sflag:s31] =	ssyncpa.u1 $0x1  }
0x42: {  	p0 =	sne.s32 s0, $0x0;
	_ =	strace $0x9000004A  }
0x43: {  	s0 =	sadd.s32 @!p0 $0x100000, s1;
	[bflag:$0x2] =	sbarrier.arrive $0xFFFF  }
0x44: {  	[sflag:s0] =	ssyncadd.tile.s32 @!p0 $0x1;
	_ =	shalt  }
.Lfunc_end1:
_tile_overlayer_lowered:
.L_overlay_start_2:
0x45: {  	(tag) =	ssettag $0x2  }
0x46: {  	s0 =	rddreg [dreg:$0x0];
	s2 =	stileid.u32  }
0x47: {  	s1 =	rddreg [dreg:$0x1];
	p0 =	sne.s32 s2, $0x0  }
0x48: {  	s3 =	rddreg [dreg:$0x2];
	[bflag:$0x3] =	sbarrier.arrive $0xFFFF;
	s2 =	simm.s32 @!p0 $0x1C01  }
0x49: {  	[timem:s3], [sflag:s2] =	dma.local @!p0 [hbm:s0], s1  }
0x4a: {  	s0 =	simm.s32 @!p0 $0x1  }
0x4b: {  	_ =	swait.ge @!p0 [sflag:s0], s1  }
0x4c: {  	s1 =	ssub.s32 @!p0 $0x0, s1;
	[sflag:s0] =	ssyncset.done @!p0 $0x0  }
0x4d: {  	[sflag:s0] =	ssyncadd.s32 @!p0 s1  }
0x4e: {  	[bflag:$0x3] =	sbarrier.arrive $0xFFFF  }
0x4f: {  	_ =	shalt  }

</sc_bundles>
